<compile_context>
chip_gen: v7x
topology: tpu7x:2x2x1
jax: 0.10.2.dev20260603
libtpu: 0.0.44.dev20260713+nightly
codegen_flags: <defaults>
</compile_context>

<pallas_src>
import functools

import jax
import jax.numpy as jnp
from jax import lax
from jax.experimental import pallas as pl
from jax.experimental.pallas import tpu as pltpu
from jax.experimental.pallas import tpu_sc as plsc

_NC = 2
_NS = 16
_NW = _NC * _NS
_C = 80


def _sc_agg_body(with_cnt, np_, d, cpt, *refs):
    if with_cnt:
        (x_hbm, src_hbm, dst_hbm, z2_hbm, z1_hbm, agg_out, cnt_out,
         shared, cnt_sh, src_loc, dst_loc, rows, ones_v,
         gsem, ssem, csem) = refs
    else:
        (x_hbm, src_hbm, dst_hbm, z2_hbm, agg_out,
         shared, src_loc, dst_loc, rows, gsem, ssem) = refs
    c = lax.axis_index("c")
    s = lax.axis_index("s")
    wid = c * _NS + s
    rpt = np_ // _NS

    pltpu.sync_copy(z2_hbm.at[pl.ds(s * rpt, rpt)],
                    shared.at[pl.ds(s * rpt, rpt)])
    if with_cnt:
        @pl.when(s == 0)
        def _():
            pltpu.sync_copy(z1_hbm, cnt_sh)
        for i in range(_C // 16):
            ones_v[pl.ds(i * 16, 16)] = jnp.full((16,), 1.0, jnp.float32)

    pltpu.sync_copy(src_hbm.at[wid], src_loc)
    pltpu.sync_copy(dst_hbm.at[wid], dst_loc)
    plsc.subcore_barrier()

    def drain_gather(buf):
        pltpu.make_async_copy(x_hbm.at[pl.ds(0, _C)], buf, gsem).wait()

    def process(j, buf):
        waits = [pltpu.async_copy(buf, shared.at[dst_loc.at[j]], ssem,
                                  add=True)]
        if with_cnt:
            waits.append(pltpu.async_copy(ones_v, cnt_sh.at[dst_loc.at[j]],
                                          csem, add=True))
        for w in waits:
            w.wait()

    pltpu.async_copy(x_hbm.at[src_loc.at[pl.ds(0, _C)]], rows.at[0], gsem)

    def pair(g, carry):
        j0 = 2 * g
        drain_gather(rows.at[0])
        pltpu.async_copy(x_hbm.at[src_loc.at[pl.ds((j0 + 1) * _C, _C)]], rows.at[1], gsem)
        process(j0, rows.at[0])
        drain_gather(rows.at[1])

        @pl.when(j0 + 2 < cpt)
        def _():
            pltpu.async_copy(x_hbm.at[src_loc.at[pl.ds((j0 + 2) * _C, _C)]], rows.at[0], gsem)
        process(j0 + 1, rows.at[1])
        return carry

    lax.fori_loop(0, cpt // 2, pair, 0)
    if cpt % 2:
        drain_gather(rows.at[0])
        process(cpt - 1, rows.at[0])
    plsc.subcore_barrier()

    pltpu.sync_copy(shared.at[pl.ds(s * rpt, rpt)],
                    agg_out.at[pl.ds(c * np_ + s * rpt, rpt)])
    if with_cnt:
        @pl.when(s == 0)
        def _():
            pltpu.sync_copy(cnt_sh, cnt_out.at[pl.ds(c * np_, np_)])


def _tc_layer(relu, aggp, cntp, xin, WlT, WrT, b):
    np_, d = xin.shape
    r = np_ // 2

    def body(agg_ref, cnt_ref, x_ref, wl_ref, wr_ref, b_ref, o_ref):
        a = agg_ref[0] + agg_ref[1]
        ct = cnt_ref[0] + cnt_ref[1]
        inv = 1.0 / jnp.maximum(ct, 1.0)
        mean = a * inv[:, None]
        y = (jnp.dot(mean, wl_ref[...], preferred_element_type=jnp.float32)
             + jnp.dot(x_ref[...], wr_ref[...], preferred_element_type=jnp.float32)
             + b_ref[...])
        if relu:
            y = jnp.maximum(y, 0.0)
        o_ref[...] = y

    return pl.pallas_call(
        body,
        grid=(np_ // r,),
        in_specs=[
            pl.BlockSpec((2, r, d), lambda i: (0, i, 0)),
            pl.BlockSpec((2, r), lambda i: (0, i)),
            pl.BlockSpec((r, d), lambda i: (i, 0)),
            pl.BlockSpec((d, d), lambda i: (0, 0)),
            pl.BlockSpec((d, d), lambda i: (0, 0)),
            pl.BlockSpec((1, d), lambda i: (0, 0)),
        ],
        out_specs=pl.BlockSpec((r, d), lambda i: (i, 0)),
        out_shape=jax.ShapeDtypeStruct((np_, d), jnp.float32),
    )(aggp, cntp, xin, WlT, WrT, b)


def kernel(x, edge_index, W1l, b1l, W1r, W2l, b2l, W2r):
    n, d = x.shape
    e = edge_index.shape[1]
    np_ = ((n + 511) // 512) * 512
    cpt = e // (_NW * _C)

    xp = jnp.zeros((np_, d), jnp.float32).at[:n].set(x)
    src2 = edge_index[0].reshape(_NW, cpt * _C)
    dst2 = edge_index[1].reshape(_NW, cpt, _C)
    z2 = jnp.zeros((np_, d), jnp.float32)
    z1 = jnp.zeros((np_,), jnp.float32)

    mesh = plsc.VectorSubcoreMesh(core_axis_name="c", subcore_axis_name="s")
    agg1_fn = pl.kernel(
        functools.partial(_sc_agg_body, True, np_, d, cpt),
        out_type=(jax.ShapeDtypeStruct((2 * np_, d), jnp.float32),
                  jax.ShapeDtypeStruct((2 * np_,), jnp.float32)),
        mesh=mesh,
        scratch_types=(
            pltpu.VMEM_SHARED((np_, d), jnp.float32),
            pltpu.VMEM_SHARED((np_,), jnp.float32),
            pltpu.VMEM((cpt * _C,), jnp.int32),
            pltpu.VMEM((cpt, _C), jnp.int32),
            pltpu.VMEM((2, _C, d), jnp.float32),
            pltpu.VMEM((_C,), jnp.float32),
            pltpu.SemaphoreType.DMA,
            pltpu.SemaphoreType.DMA,
            pltpu.SemaphoreType.DMA,
        ),
    )
    agg2_fn = pl.kernel(
        functools.partial(_sc_agg_body, False, np_, d, cpt),
        out_type=jax.ShapeDtypeStruct((2 * np_, d), jnp.float32),
        mesh=mesh,
        scratch_types=(
            pltpu.VMEM_SHARED((np_, d), jnp.float32),
            pltpu.VMEM((cpt * _C,), jnp.int32),
            pltpu.VMEM((cpt, _C), jnp.int32),
            pltpu.VMEM((2, _C, d), jnp.float32),
            pltpu.SemaphoreType.DMA,
            pltpu.SemaphoreType.DMA,
        ),
    )

    aggp1, cntp1 = agg1_fn(xp, src2, dst2, z2, z1)
    cnt3 = cntp1.reshape(2, np_)
    h = _tc_layer(True, aggp1.reshape(2, np_, d), cnt3, xp,
                  W1l.T, W1r.T, b1l.reshape(1, d))
    aggp2 = agg2_fn(h, src2, dst2, z2)
    out = _tc_layer(False, aggp2.reshape(2, np_, d), cnt3, h,
                    W2l.T, W2r.T, b2l.reshape(1, d))
    return out[:n]

# --- scband reference (transcript-rebuilt; emitter-appended) ---
"""Pipeline reference for scband-gnnencoder-32323923870319 (READ-ONLY COPY).

The authoritative reference and input builder live on the scoring server;
editing this copy changes nothing except your own understanding.
"""

import jax, jax.numpy as jnp
import numpy as np

N = 10000
E = 320000
D = 128
H = 128
O = 128


def setup_inputs(seed: int = 0) -> dict:
    key = jax.random.key(seed)
    ks = jax.random.split(key, 9)
    x = jax.random.normal(ks[0], (N, D), dtype=jnp.float32)
    edge_index = jax.random.randint(ks[1], (2, E), 0, N, dtype=jnp.int32)
    s1 = 1.0 / np.sqrt(D)
    s2 = 1.0 / np.sqrt(H)
    W1l = jax.random.uniform(ks[2], (H, D), dtype=jnp.float32, minval=-s1, maxval=s1)
    b1l = jnp.zeros((H,), dtype=jnp.float32)
    W1r = jax.random.uniform(ks[3], (H, D), dtype=jnp.float32, minval=-s1, maxval=s1)
    W2l = jax.random.uniform(ks[4], (O, H), dtype=jnp.float32, minval=-s2, maxval=s2)
    b2l = jnp.zeros((O,), dtype=jnp.float32)
    W2r = jax.random.uniform(ks[5], (O, H), dtype=jnp.float32, minval=-s2, maxval=s2)
    return {"x": x, "edge_index": edge_index, "W1l": W1l, "b1l": b1l, "W1r": W1r, "W2l": W2l, "b2l": b2l, "W2r": W2r}


def _sage_conv(x, edge_index, W_l, b_l, W_r):
    # PyG SAGEConv (aggr='mean'): out = lin_l(mean_{j in N(i)} x_j) + lin_r(x_i)
    src = edge_index[0]
    dst = edge_index[1]
    msg = jnp.take(x, src, axis=0)                      # gather: [E, d]
    agg = jax.ops.segment_sum(msg, dst, num_segments=N)  # scatter-add: [N, d]
    cnt = jax.ops.segment_sum(jnp.ones((msg.shape[0],), dtype=x.dtype), dst, num_segments=N)
    mean = agg / jnp.clip(cnt, 1.0)[:, None]
    return mean @ W_l.T + b_l + x @ W_r.T


def reference(x, edge_index, W1l, b1l, W1r, W2l, b2l, W2r):
    h = jax.nn.relu(_sage_conv(x, edge_index, W1l, b1l, W1r))
    out = _sage_conv(h, edge_index, W2l, b2l, W2r)
    return out

if __name__ == "__main__":
    import jax
    _d = setup_inputs()
    print(jax.jit(kernel)(*tuple(_d.values())))

</pallas_src>

<mosaic_0001>
#map = affine_map<(d0, d1) -> (0, 0)>
#map1 = affine_map<(d0, d1) -> (0, 0, 0)>
#map2 = affine_map<(d0, d1) -> (0)>
module attributes {stable_mosaic.version = 14 : i64} {
  func.func @_sc_agg_body(%arg0: i32, %arg1: i32, %arg2: memref<10240x128xf32, #tpu.memory_space<hbm>>, %arg3: memref<32x10000xi32, #tpu.memory_space<hbm>>, %arg4: memref<32x125x80xi32, #tpu.memory_space<hbm>>, %arg5: memref<10240x128xf32, #tpu.memory_space<hbm>>, %arg6: memref<10240xf32, #tpu.memory_space<hbm>>, %arg7: memref<20480x128xf32, #tpu.memory_space<hbm>>, %arg8: memref<20480xf32, #tpu.memory_space<hbm>>, %arg9: memref<10240x128xf32, #tpu.memory_space<vmem_shared>>, %arg10: memref<10240xf32, #tpu.memory_space<vmem_shared>>, %arg11: memref<10000xi32, #tpu.memory_space<vmem>>, %arg12: memref<125x80xi32, #tpu.memory_space<vmem>>, %arg13: memref<2x80x128xf32, #tpu.memory_space<vmem>>, %arg14: memref<80xf32, #tpu.memory_space<vmem>>, %arg15: memref<!tpu.dma_semaphore, #tpu.memory_space<semaphore_mem>>, %arg16: memref<!tpu.dma_semaphore, #tpu.memory_space<semaphore_mem>>, %arg17: memref<!tpu.dma_semaphore, #tpu.memory_space<semaphore_mem>>) attributes {dimension_semantics = [#tpu.dimension_semantics<core_parallel>, #tpu.dimension_semantics<subcore_parallel>], iteration_bounds = array<i64: 2, 16>, scalar_prefetch = 0 : i64, scratch_operands = 9 : i64, tpu.core_type = #tpu.core_type<sc_vector_subcore>, window_params = [{transform_indices = #map}, {transform_indices = #map}, {transform_indices = #map1}, {transform_indices = #map}, {transform_indices = #map2}, {transform_indices = #map}, {transform_indices = #map2}]} {
    %mul3A = arith.constant 16 : i32
    %mul3A_0 = arith.muli %arg0, %mul3A : i32
    %add3A = arith.addi %mul3A_0, %arg1 : i32
    %mul3A_1 = arith.constant 640 : i32
    %mul3A_2 = arith.muli %arg1, %mul3A_1 : i32
    %mul3A_3 = arith.constant 640 : i32
    %mul3A_4 = arith.muli %arg1, %mul3A_3 : i32
    "tpu.region"() ({
      %run_scoped3A = tpu.sem_alloc : memref<!tpu.dma_semaphore, #tpu.memory_space<semaphore_mem>>
      %dma_start3A_112 = arith.constant 0 : i32
      %dma_start3A_113 = tpu.memref_slice %arg9[%mul3A_4, %dma_start3A_112] : memref<10240x128xf32, #tpu.memory_space<vmem_shared>> -> memref<640x128xf32, #tpu.memory_space<vmem_shared>>
      %dma_start3A_114 = arith.constant 0 : i32
      %dma_start3A_115 = tpu.memref_slice %arg5[%mul3A_2, %dma_start3A_114] : memref<10240x128xf32, #tpu.memory_space<hbm>> -> memref<640x128xf32, #tpu.memory_space<hbm>>
      tpu.enqueue_dma source(%dma_start3A_115 : memref<640x128xf32, #tpu.memory_space<hbm>>) target(%dma_start3A_113 : memref<640x128xf32, #tpu.memory_space<vmem_shared>>) target_semaphore(%run_scoped3A : memref<!tpu.dma_semaphore, #tpu.memory_space<semaphore_mem>>)
      %dma_wait3A_116 = arith.constant 0 : i32
      %dma_wait3A_117 = tpu.memref_slice %arg9[%mul3A_4, %dma_wait3A_116] : memref<10240x128xf32, #tpu.memory_space<vmem_shared>> -> memref<640x128xf32, #tpu.memory_space<vmem_shared>>
      %dma_wait3A_118 = arith.constant 0 : i32
      %dma_wait3A_119 = tpu.memref_slice %arg5[%mul3A_2, %dma_wait3A_118] : memref<10240x128xf32, #tpu.memory_space<hbm>> -> memref<640x128xf32, #tpu.memory_space<hbm>>
      tpu.wait_dma2 semaphore(%run_scoped3A : memref<!tpu.dma_semaphore, #tpu.memory_space<semaphore_mem>>) src(%dma_wait3A_119 : memref<640x128xf32, #tpu.memory_space<hbm>>) dst(%dma_wait3A_117 : memref<640x128xf32, #tpu.memory_space<vmem_shared>>)
      tpu.yield
    }) : () -> ()
    %eq3A = arith.constant 0 : i32
    %eq3A_5 = arith.cmpi eq, %arg1, %eq3A : i32
    %convert_element_type3A = arith.extui %eq3A_5 : i1 to i32
    %cond3A = arith.constant 0 : i32
    %cond3A_6 = arith.cmpi ne, %convert_element_type3A, %cond3A : i32
    scf.if %cond3A_6 {
      "tpu.region"() ({
        %run_scoped3A = tpu.sem_alloc : memref<!tpu.dma_semaphore, #tpu.memory_space<semaphore_mem>>
        tpu.enqueue_dma source(%arg6 : memref<10240xf32, #tpu.memory_space<hbm>>) target(%arg10 : memref<10240xf32, #tpu.memory_space<vmem_shared>>) target_semaphore(%run_scoped3A : memref<!tpu.dma_semaphore, #tpu.memory_space<semaphore_mem>>)
        tpu.wait_dma2 semaphore(%run_scoped3A : memref<!tpu.dma_semaphore, #tpu.memory_space<semaphore_mem>>) src(%arg6 : memref<10240xf32, #tpu.memory_space<hbm>>) dst(%arg10 : memref<10240xf32, #tpu.memory_space<vmem_shared>>)
        tpu.yield
      }) : () -> ()
    } else {
    }
    %broadcast_in_dim3A = arith.constant 1.000000e+00 : f32
    %broadcast_in_dim3A_7 = vector.broadcast %broadcast_in_dim3A : f32 to vector<16xf32>
    %swap3A = arith.constant 0 : index
    %swap3A_8 = tpu.vector_load %arg14[%swap3A] {strides = array<i32>} : memref<80xf32, #tpu.memory_space<vmem>>, vector<16xf32>,
    %swap3A_9 = vector.shape_cast %swap3A_8 : vector<16xf32> to vector<16xf32>
    %swap3A_10 = vector.shape_cast %broadcast_in_dim3A_7 : vector<16xf32> to vector<16xf32>
    tpu.vector_store %arg14[%swap3A], %swap3A_10 {strides = array<i32>} : memref<80xf32, #tpu.memory_space<vmem>>, vector<16xf32>,
    %broadcast_in_dim3A_11 = arith.constant 1.000000e+00 : f32
    %broadcast_in_dim3A_12 = vector.broadcast %broadcast_in_dim3A_11 : f32 to vector<16xf32>
    %swap3A_13 = arith.constant 16 : index
    %swap3A_14 = tpu.vector_load %arg14[%swap3A_13] {strides = array<i32>} : memref<80xf32, #tpu.memory_space<vmem>>, vector<16xf32>,
    %swap3A_15 = vector.shape_cast %swap3A_14 : vector<16xf32> to vector<16xf32>
    %swap3A_16 = vector.shape_cast %broadcast_in_dim3A_12 : vector<16xf32> to vector<16xf32>
    tpu.vector_store %arg14[%swap3A_13], %swap3A_16 {strides = array<i32>} : memref<80xf32, #tpu.memory_space<vmem>>, vector<16xf32>,
    %broadcast_in_dim3A_17 = arith.constant 1.000000e+00 : f32
    %broadcast_in_dim3A_18 = vector.broadcast %broadcast_in_dim3A_17 : f32 to vector<16xf32>
    %swap3A_19 = arith.constant 32 : index
    %swap3A_20 = tpu.vector_load %arg14[%swap3A_19] {strides = array<i32>} : memref<80xf32, #tpu.memory_space<vmem>>, vector<16xf32>,
    %swap3A_21 = vector.shape_cast %swap3A_20 : vector<16xf32> to vector<16xf32>
    %swap3A_22 = vector.shape_cast %broadcast_in_dim3A_18 : vector<16xf32> to vector<16xf32>
    tpu.vector_store %arg14[%swap3A_19], %swap3A_22 {strides = array<i32>} : memref<80xf32, #tpu.memory_space<vmem>>, vector<16xf32>,
    %broadcast_in_dim3A_23 = arith.constant 1.000000e+00 : f32
    %broadcast_in_dim3A_24 = vector.broadcast %broadcast_in_dim3A_23 : f32 to vector<16xf32>
    %swap3A_25 = arith.constant 48 : index
    %swap3A_26 = tpu.vector_load %arg14[%swap3A_25] {strides = array<i32>} : memref<80xf32, #tpu.memory_space<vmem>>, vector<16xf32>,
    %swap3A_27 = vector.shape_cast %swap3A_26 : vector<16xf32> to vector<16xf32>
    %swap3A_28 = vector.shape_cast %broadcast_in_dim3A_24 : vector<16xf32> to vector<16xf32>
    tpu.vector_store %arg14[%swap3A_25], %swap3A_28 {strides = array<i32>} : memref<80xf32, #tpu.memory_space<vmem>>, vector<16xf32>,
    %broadcast_in_dim3A_29 = arith.constant 1.000000e+00 : f32
    %broadcast_in_dim3A_30 = vector.broadcast %broadcast_in_dim3A_29 : f32 to vector<16xf32>
    %swap3A_31 = arith.constant 64 : index
    %swap3A_32 = tpu.vector_load %arg14[%swap3A_31] {strides = array<i32>} : memref<80xf32, #tpu.memory_space<vmem>>, vector<16xf32>,
    %swap3A_33 = vector.shape_cast %swap3A_32 : vector<16xf32> to vector<16xf32>
    %swap3A_34 = vector.shape_cast %broadcast_in_dim3A_30 : vector<16xf32> to vector<16xf32>
    tpu.vector_store %arg14[%swap3A_31], %swap3A_34 {strides = array<i32>} : memref<80xf32, #tpu.memory_space<vmem>>, vector<16xf32>,
    "tpu.region"() ({
      %run_scoped3A = tpu.sem_alloc : memref<!tpu.dma_semaphore, #tpu.memory_space<semaphore_mem>>
      %dma_start3A_112 = arith.constant 0 : i32
      %dma_start3A_113 = tpu.memref_slice %arg3[%add3A, %dma_start3A_112] : memref<32x10000xi32, #tpu.memory_space<hbm>> -> memref<1x10000xi32, #tpu.memory_space<hbm>>
      %dma_start3A_114 = tpu.memref_squeeze %dma_start3A_113 : memref<1x10000xi32, #tpu.memory_space<hbm>> -> memref<10000xi32, #tpu.memory_space<hbm>>
      %dma_start3A_115 = arith.constant 0 : i32
      %dma_start3A_116 = tpu.memref_slice %arg3[%add3A, %dma_start3A_115] : memref<32x10000xi32, #tpu.memory_space<hbm>> -> memref<1x10000xi32, #tpu.memory_space<hbm>>
      %dma_start3A_117 = tpu.memref_squeeze %dma_start3A_116 : memref<1x10000xi32, #tpu.memory_space<hbm>> -> memref<10000xi32, #tpu.memory_space<hbm>>
      tpu.enqueue_dma source(%dma_start3A_117 : memref<10000xi32, #tpu.memory_space<hbm>>) target(%arg11 : memref<10000xi32, #tpu.memory_space<vmem>>) target_semaphore(%run_scoped3A : memref<!tpu.dma_semaphore, #tpu.memory_space<semaphore_mem>>)
      %dma_wait3A_118 = arith.constant 0 : i32
      %dma_wait3A_119 = tpu.memref_slice %arg3[%add3A, %dma_wait3A_118] : memref<32x10000xi32, #tpu.memory_space<hbm>> -> memref<1x10000xi32, #tpu.memory_space<hbm>>
      %dma_wait3A_120 = tpu.memref_squeeze %dma_wait3A_119 : memref<1x10000xi32, #tpu.memory_space<hbm>> -> memref<10000xi32, #tpu.memory_space<hbm>>
      %dma_wait3A_121 = arith.constant 0 : i32
      %dma_wait3A_122 = tpu.memref_slice %arg3[%add3A, %dma_wait3A_121] : memref<32x10000xi32, #tpu.memory_space<hbm>> -> memref<1x10000xi32, #tpu.memory_space<hbm>>
      %dma_wait3A_123 = tpu.memref_squeeze %dma_wait3A_122 : memref<1x10000xi32, #tpu.memory_space<hbm>> -> memref<10000xi32, #tpu.memory_space<hbm>>
      tpu.wait_dma2 semaphore(%run_scoped3A : memref<!tpu.dma_semaphore, #tpu.memory_space<semaphore_mem>>) src(%dma_wait3A_123 : memref<10000xi32, #tpu.memory_space<hbm>>) dst(%arg11 : memref<10000xi32, #tpu.memory_space<vmem>>)
      tpu.yield
    }) : () -> ()
    "tpu.region"() ({
      %run_scoped3A = tpu.sem_alloc : memref<!tpu.dma_semaphore, #tpu.memory_space<semaphore_mem>>
      %dma_start3A_112 = arith.constant 0 : i32
      %dma_start3A_113 = arith.constant 0 : i32
      %dma_start3A_114 = tpu.memref_slice %arg4[%add3A, %dma_start3A_112, %dma_start3A_113] : memref<32x125x80xi32, #tpu.memory_space<hbm>> -> memref<1x125x80xi32, #tpu.memory_space<hbm>>
      %dma_start3A_115 = tpu.memref_squeeze %dma_start3A_114 : memref<1x125x80xi32, #tpu.memory_space<hbm>> -> memref<125x80xi32, #tpu.memory_space<hbm>>
      %dma_start3A_116 = arith.constant 0 : i32
      %dma_start3A_117 = arith.constant 0 : i32
      %dma_start3A_118 = tpu.memref_slice %arg4[%add3A, %dma_start3A_116, %dma_start3A_117] : memref<32x125x80xi32, #tpu.memory_space<hbm>> -> memref<1x125x80xi32, #tpu.memory_space<hbm>>
      %dma_start3A_119 = tpu.memref_squeeze %dma_start3A_118 : memref<1x125x80xi32, #tpu.memory_space<hbm>> -> memref<125x80xi32, #tpu.memory_space<hbm>>
      tpu.enqueue_dma source(%dma_start3A_119 : memref<125x80xi32, #tpu.memory_space<hbm>>) target(%arg12 : memref<125x80xi32, #tpu.memory_space<vmem>>) target_semaphore(%run_scoped3A : memref<!tpu.dma_semaphore, #tpu.memory_space<semaphore_mem>>)
      %dma_wait3A_120 = arith.constant 0 : i32
      %dma_wait3A_121 = arith.constant 0 : i32
      %dma_wait3A_122 = tpu.memref_slice %arg4[%add3A, %dma_wait3A_120, %dma_wait3A_121] : memref<32x125x80xi32, #tpu.memory_space<hbm>> -> memref<1x125x80xi32, #tpu.memory_space<hbm>>
      %dma_wait3A_123 = tpu.memref_squeeze %dma_wait3A_122 : memref<1x125x80xi32, #tpu.memory_space<hbm>> -> memref<125x80xi32, #tpu.memory_space<hbm>>
      %dma_wait3A_124 = arith.constant 0 : i32
      %dma_wait3A_125 = arith.constant 0 : i32
      %dma_wait3A_126 = tpu.memref_slice %arg4[%add3A, %dma_wait3A_124, %dma_wait3A_125] : memref<32x125x80xi32, #tpu.memory_space<hbm>> -> memref<1x125x80xi32, #tpu.memory_space<hbm>>
      %dma_wait3A_127 = tpu.memref_squeeze %dma_wait3A_126 : memref<1x125x80xi32, #tpu.memory_space<hbm>> -> memref<125x80xi32, #tpu.memory_space<hbm>>
      tpu.wait_dma2 semaphore(%run_scoped3A : memref<!tpu.dma_semaphore, #tpu.memory_space<semaphore_mem>>) src(%dma_wait3A_127 : memref<125x80xi32, #tpu.memory_space<hbm>>) dst(%arg12 : memref<125x80xi32, #tpu.memory_space<vmem>>)
      tpu.yield
    }) : () -> ()
    %barrier3A = arith.constant 0 : index
    tpu.barrier barrier_id(%barrier3A)
    %dma_start3A = arith.constant 0 : i32
    %dma_start3A_35 = arith.constant 0 : i32
    %dma_start3A_36 = arith.constant 0 : i32
    %dma_start3A_37 = tpu.memref_slice %arg13[%dma_start3A, %dma_start3A_35, %dma_start3A_36] : memref<2x80x128xf32, #tpu.memory_space<vmem>> -> memref<1x80x128xf32, #tpu.memory_space<vmem>>
    %dma_start3A_38 = tpu.memref_squeeze %dma_start3A_37 : memref<1x80x128xf32, #tpu.memory_space<vmem>> -> memref<80x128xf32, #tpu.memory_space<vmem>>
    %dma_start3A_39 = arith.constant 0 : i32
    %dma_start3A_40 = tpu.memref_slice %arg11[%dma_start3A_39] : memref<10000xi32, #tpu.memory_space<vmem>> -> memref<80xi32, #tpu.memory_space<vmem>>
    %dma_start3A_41 = arith.constant 0 : i32
    %dma_start3A_42 = arith.constant 0 : i32
    %dma_start3A_43 = tpu.memref_slice %arg2[%dma_start3A_41, %dma_start3A_42] : memref<10240x128xf32, #tpu.memory_space<hbm>> -> memref<10240x128xf32, #tpu.memory_space<hbm>>
    tpu.enqueue_indirect_dma source(%dma_start3A_43 : memref<10240x128xf32, #tpu.memory_space<hbm>>) target(%dma_start3A_38 : memref<80x128xf32, #tpu.memory_space<vmem>>) offsets(%dma_start3A_40 : memref<80xi32, #tpu.memory_space<vmem>>) semaphore(%arg15 : memref<!tpu.dma_semaphore, #tpu.memory_space<semaphore_mem>>)
    %scan3A = arith.constant 0 : i32
    %scan3A_44 = arith.constant 0 : i32
    %scan3A_45 = arith.constant 62 : i32
    %scan3A_46 = arith.addi %scan3A_44, %scan3A_45 : i32
    %scan3A_47 = arith.constant 1 : i32
    scf.for %scan3A_112 = %scan3A_44 to %scan3A_46 step %scan3A_47  : i32 {
      %mul3A_113 = arith.constant 2 : i32
      %mul3A_114 = arith.muli %mul3A_113, %scan3A_112 : i32
      %dma_wait3A_115 = arith.constant 0 : i32
      %dma_wait3A_116 = arith.constant 0 : i32
      %dma_wait3A_117 = arith.constant 0 : i32
      %dma_wait3A_118 = tpu.memref_slice %arg13[%dma_wait3A_115, %dma_wait3A_116, %dma_wait3A_117] : memref<2x80x128xf32, #tpu.memory_space<vmem>> -> memref<1x80x128xf32, #tpu.memory_space<vmem>>
      %dma_wait3A_119 = tpu.memref_squeeze %dma_wait3A_118 : memref<1x80x128xf32, #tpu.memory_space<vmem>> -> memref<80x128xf32, #tpu.memory_space<vmem>>
      %dma_wait3A_120 = arith.constant 0 : i32
      %dma_wait3A_121 = arith.constant 0 : i32
      %dma_wait3A_122 = tpu.memref_slice %arg2[%dma_wait3A_120, %dma_wait3A_121] : memref<10240x128xf32, #tpu.memory_space<hbm>> -> memref<80x128xf32, #tpu.memory_space<hbm>>
      %dma_wait3A_123 = arith.constant 0 : i32
      %dma_wait3A_124 = arith.constant 0 : i32
      %dma_wait3A_125 = tpu.memref_slice %arg13[%dma_wait3A_115, %dma_wait3A_123, %dma_wait3A_124] : memref<2x80x128xf32, #tpu.memory_space<vmem>> -> memref<1x80x128xf32, #tpu.memory_space<vmem>>
      %dma_wait3A_126 = tpu.memref_squeeze %dma_wait3A_125 : memref<1x80x128xf32, #tpu.memory_space<vmem>> -> memref<80x128xf32, #tpu.memory_space<vmem>>
      %dma_wait3A_127 = arith.constant 0 : i32
      %dma_wait3A_128 = arith.constant 0 : i32
      %dma_wait3A_129 = tpu.memref_slice %arg2[%dma_wait3A_127, %dma_wait3A_128] : memref<10240x128xf32, #tpu.memory_space<hbm>> -> memref<80x128xf32, #tpu.memory_space<hbm>>
      tpu.wait_dma2 semaphore(%arg15 : memref<!tpu.dma_semaphore, #tpu.memory_space<semaphore_mem>>) src(%dma_wait3A_129 : memref<80x128xf32, #tpu.memory_space<hbm>>) dst(%dma_wait3A_126 : memref<80x128xf32, #tpu.memory_space<vmem>>)
      %add3A_130 = arith.constant 1 : i32
      %add3A_131 = arith.addi %mul3A_114, %add3A_130 : i32
      %mul3A_132 = arith.constant 80 : i32
      %mul3A_133 = arith.muli %add3A_131, %mul3A_132 : i32
      %dma_start3A_134 = arith.constant 1 : i32
      %dma_start3A_135 = arith.constant 0 : i32
      %dma_start3A_136 = arith.constant 0 : i32
      %dma_start3A_137 = tpu.memref_slice %arg13[%dma_start3A_134, %dma_start3A_135, %dma_start3A_136] : memref<2x80x128xf32, #tpu.memory_space<vmem>> -> memref<1x80x128xf32, #tpu.memory_space<vmem>>
      %dma_start3A_138 = tpu.memref_squeeze %dma_start3A_137 : memref<1x80x128xf32, #tpu.memory_space<vmem>> -> memref<80x128xf32, #tpu.memory_space<vmem>>
      %dma_start3A_139 = tpu.memref_slice %arg11[%mul3A_133] : memref<10000xi32, #tpu.memory_space<vmem>> -> memref<80xi32, #tpu.memory_space<vmem>>
      %dma_start3A_140 = arith.constant 0 : i32
      %dma_start3A_141 = arith.constant 0 : i32
      %dma_start3A_142 = tpu.memref_slice %arg2[%dma_start3A_140, %dma_start3A_141] : memref<10240x128xf32, #tpu.memory_space<hbm>> -> memref<10240x128xf32, #tpu.memory_space<hbm>>
      tpu.enqueue_indirect_dma source(%dma_start3A_142 : memref<10240x128xf32, #tpu.memory_space<hbm>>) target(%dma_start3A_138 : memref<80x128xf32, #tpu.memory_space<vmem>>) offsets(%dma_start3A_139 : memref<80xi32, #tpu.memory_space<vmem>>) semaphore(%arg15 : memref<!tpu.dma_semaphore, #tpu.memory_space<semaphore_mem>>)
      %dma_start3A_143 = arith.constant 0 : i32
      %dma_start3A_144 = arith.constant 0 : i32
      %dma_start3A_145 = arith.constant 0 : i32
      %dma_start3A_146 = tpu.memref_slice %arg13[%dma_start3A_143, %dma_start3A_144, %dma_start3A_145] : memref<2x80x128xf32, #tpu.memory_space<vmem>> -> memref<1x80x128xf32, #tpu.memory_space<vmem>>
      %dma_start3A_147 = tpu.memref_squeeze %dma_start3A_146 : memref<1x80x128xf32, #tpu.memory_space<vmem>> -> memref<80x128xf32, #tpu.memory_space<vmem>>
      %dma_start3A_148 = arith.constant 0 : i32
      %dma_start3A_149 = tpu.memref_slice %arg12[%mul3A_114, %dma_start3A_148] : memref<125x80xi32, #tpu.memory_space<vmem>> -> memref<1x80xi32, #tpu.memory_space<vmem>>
      %dma_start3A_150 = tpu.memref_squeeze %dma_start3A_149 : memref<1x80xi32, #tpu.memory_space<vmem>> -> memref<80xi32, #tpu.memory_space<vmem>>
      %dma_start3A_151 = arith.constant 0 : i32
      %dma_start3A_152 = arith.constant 0 : i32
      %dma_start3A_153 = tpu.memref_slice %arg9[%dma_start3A_151, %dma_start3A_152] : memref<10240x128xf32, #tpu.memory_space<vmem_shared>> -> memref<10240x128xf32, #tpu.memory_space<vmem_shared>>
      tpu.enqueue_indirect_dma source(%dma_start3A_147 : memref<80x128xf32, #tpu.memory_space<vmem>>) target(%dma_start3A_153 : memref<10240x128xf32, #tpu.memory_space<vmem_shared>>) offsets(%dma_start3A_150 : memref<80xi32, #tpu.memory_space<vmem>>) semaphore(%arg16 : memref<!tpu.dma_semaphore, #tpu.memory_space<semaphore_mem>>) {add = true}
      %dma_start3A_154 = arith.constant 0 : i32
      %dma_start3A_155 = tpu.memref_slice %arg12[%mul3A_114, %dma_start3A_154] : memref<125x80xi32, #tpu.memory_space<vmem>> -> memref<1x80xi32, #tpu.memory_space<vmem>>
      %dma_start3A_156 = tpu.memref_squeeze %dma_start3A_155 : memref<1x80xi32, #tpu.memory_space<vmem>> -> memref<80xi32, #tpu.memory_space<vmem>>
      %dma_start3A_157 = arith.constant 0 : i32
      %dma_start3A_158 = tpu.memref_slice %arg10[%dma_start3A_157] : memref<10240xf32, #tpu.memory_space<vmem_shared>> -> memref<10240xf32, #tpu.memory_space<vmem_shared>>
      tpu.enqueue_indirect_dma source(%arg14 : memref<80xf32, #tpu.memory_space<vmem>>) target(%dma_start3A_158 : memref<10240xf32, #tpu.memory_space<vmem_shared>>) offsets(%dma_start3A_156 : memref<80xi32, #tpu.memory_space<vmem>>) semaphore(%arg17 : memref<!tpu.dma_semaphore, #tpu.memory_space<semaphore_mem>>) {add = true}
      %dma_wait3A_159 = arith.constant 0 : i32
      %dma_wait3A_160 = arith.constant 0 : i32
      %dma_wait3A_161 = arith.constant 0 : i32
      %dma_wait3A_162 = tpu.memref_slice %arg13[%dma_wait3A_159, %dma_wait3A_160, %dma_wait3A_161] : memref<2x80x128xf32, #tpu.memory_space<vmem>> -> memref<1x80x128xf32, #tpu.memory_space<vmem>>
      %dma_wait3A_163 = tpu.memref_squeeze %dma_wait3A_162 : memref<1x80x128xf32, #tpu.memory_space<vmem>> -> memref<80x128xf32, #tpu.memory_space<vmem>>
      %dma_wait3A_164 = arith.constant 0 : i32
      %dma_wait3A_165 = tpu.memref_slice %arg12[%mul3A_114, %dma_wait3A_164] : memref<125x80xi32, #tpu.memory_space<vmem>> -> memref<1x80xi32, #tpu.memory_space<vmem>>
      %dma_wait3A_166 = tpu.memref_squeeze %dma_wait3A_165 : memref<1x80xi32, #tpu.memory_space<vmem>> -> memref<80xi32, #tpu.memory_space<vmem>>
      %dma_wait3A_167 = arith.constant 0 : i32
      %dma_wait3A_168 = arith.constant 0 : i32
      %dma_wait3A_169 = tpu.memref_slice %arg9[%dma_wait3A_167, %dma_wait3A_168] : memref<10240x128xf32, #tpu.memory_space<vmem_shared>> -> memref<10240x128xf32, #tpu.memory_space<vmem_shared>>
      tpu.wait_indirect_dma semaphore(%arg16 : memref<!tpu.dma_semaphore, #tpu.memory_space<semaphore_mem>>) src(%dma_wait3A_163 : memref<80x128xf32, #tpu.memory_space<vmem>>) dst(%dma_wait3A_169 : memref<10240x128xf32, #tpu.memory_space<vmem_shared>>)
      %dma_wait3A_170 = arith.constant 0 : i32
      %dma_wait3A_171 = tpu.memref_slice %arg12[%mul3A_114, %dma_wait3A_170] : memref<125x80xi32, #tpu.memory_space<vmem>> -> memref<1x80xi32, #tpu.memory_space<vmem>>
      %dma_wait3A_172 = tpu.memref_squeeze %dma_wait3A_171 : memref<1x80xi32, #tpu.memory_space<vmem>> -> memref<80xi32, #tpu.memory_space<vmem>>
      %dma_wait3A_173 = arith.constant 0 : i32
      %dma_wait3A_174 = tpu.memref_slice %arg10[%dma_wait3A_173] : memref<10240xf32, #tpu.memory_space<vmem_shared>> -> memref<10240xf32, #tpu.memory_space<vmem_shared>>
      tpu.wait_indirect_dma semaphore(%arg17 : memref<!tpu.dma_semaphore, #tpu.memory_space<semaphore_mem>>) src(%arg14 : memref<80xf32, #tpu.memory_space<vmem>>) dst(%dma_wait3A_174 : memref<10240xf32, #tpu.memory_space<vmem_shared>>)
      %dma_wait3A_175 = arith.constant 1 : i32
      %dma_wait3A_176 = arith.constant 0 : i32
      %dma_wait3A_177 = arith.constant 0 : i32
      %dma_wait3A_178 = tpu.memref_slice %arg13[%dma_wait3A_175, %dma_wait3A_176, %dma_wait3A_177] : memref<2x80x128xf32, #tpu.memory_space<vmem>> -> memref<1x80x128xf32, #tpu.memory_space<vmem>>
      %dma_wait3A_179 = tpu.memref_squeeze %dma_wait3A_178 : memref<1x80x128xf32, #tpu.memory_space<vmem>> -> memref<80x128xf32, #tpu.memory_space<vmem>>
      %dma_wait3A_180 = arith.constant 0 : i32
      %dma_wait3A_181 = arith.constant 0 : i32
      %dma_wait3A_182 = tpu.memref_slice %arg2[%dma_wait3A_180, %dma_wait3A_181] : memref<10240x128xf32, #tpu.memory_space<hbm>> -> memref<80x128xf32, #tpu.memory_space<hbm>>
      %dma_wait3A_183 = arith.constant 0 : i32
      %dma_wait3A_184 = arith.constant 0 : i32
      %dma_wait3A_185 = tpu.memref_slice %arg13[%dma_wait3A_175, %dma_wait3A_183, %dma_wait3A_184] : memref<2x80x128xf32, #tpu.memory_space<vmem>> -> memref<1x80x128xf32, #tpu.memory_space<vmem>>
      %dma_wait3A_186 = tpu.memref_squeeze %dma_wait3A_185 : memref<1x80x128xf32, #tpu.memory_space<vmem>> -> memref<80x128xf32, #tpu.memory_space<vmem>>
      %dma_wait3A_187 = arith.constant 0 : i32
      %dma_wait3A_188 = arith.constant 0 : i32
      %dma_wait3A_189 = tpu.memref_slice %arg2[%dma_wait3A_187, %dma_wait3A_188] : memref<10240x128xf32, #tpu.memory_space<hbm>> -> memref<80x128xf32, #tpu.memory_space<hbm>>
      tpu.wait_dma2 semaphore(%arg15 : memref<!tpu.dma_semaphore, #tpu.memory_space<semaphore_mem>>) src(%dma_wait3A_189 : memref<80x128xf32, #tpu.memory_space<hbm>>) dst(%dma_wait3A_186 : memref<80x128xf32, #tpu.memory_space<vmem>>)
      %add3A_190 = arith.constant 2 : i32
      %add3A_191 = arith.addi %mul3A_114, %add3A_190 : i32
      %lt3A = arith.constant 125 : i32
      %lt3A_192 = arith.cmpi slt, %add3A_191, %lt3A : i32
      %convert_element_type3A_193 = arith.extui %lt3A_192 : i1 to i32
      %cond3A_194 = arith.constant 0 : i32
      %cond3A_195 = arith.cmpi ne, %convert_element_type3A_193, %cond3A_194 : i32
      scf.if %cond3A_195 {
        %add3A_230 = arith.constant 2 : i32
        %add3A_231 = arith.addi %mul3A_114, %add3A_230 : i32
        %mul3A_232 = arith.constant 80 : i32
        %mul3A_233 = arith.muli %add3A_231, %mul3A_232 : i32
        %dma_start3A_234 = arith.constant 0 : i32
        %dma_start3A_235 = arith.constant 0 : i32
        %dma_start3A_236 = arith.constant 0 : i32
        %dma_start3A_237 = tpu.memref_slice %arg13[%dma_start3A_234, %dma_start3A_235, %dma_start3A_236] : memref<2x80x128xf32, #tpu.memory_space<vmem>> -> memref<1x80x128xf32, #tpu.memory_space<vmem>>
        %dma_start3A_238 = tpu.memref_squeeze %dma_start3A_237 : memref<1x80x128xf32, #tpu.memory_space<vmem>> -> memref<80x128xf32, #tpu.memory_space<vmem>>
        %dma_start3A_239 = tpu.memref_slice %arg11[%mul3A_233] : memref<10000xi32, #tpu.memory_space<vmem>> -> memref<80xi32, #tpu.memory_space<vmem>>
        %dma_start3A_240 = arith.constant 0 : i32
        %dma_start3A_241 = arith.constant 0 : i32
        %dma_start3A_242 = tpu.memref_slice %arg2[%dma_start3A_240, %dma_start3A_241] : memref<10240x128xf32, #tpu.memory_space<hbm>> -> memref<10240x128xf32, #tpu.memory_space<hbm>>
        tpu.enqueue_indirect_dma source(%dma_start3A_242 : memref<10240x128xf32, #tpu.memory_space<hbm>>) target(%dma_start3A_238 : memref<80x128xf32, #tpu.memory_space<vmem>>) offsets(%dma_start3A_239 : memref<80xi32, #tpu.memory_space<vmem>>) semaphore(%arg15 : memref<!tpu.dma_semaphore, #tpu.memory_space<semaphore_mem>>)
      } else {
      }
      %add3A_196 = arith.constant 1 : i32
      %add3A_197 = arith.addi %mul3A_114, %add3A_196 : i32
      %dma_start3A_198 = arith.constant 1 : i32
      %dma_start3A_199 = arith.constant 0 : i32
      %dma_start3A_200 = arith.constant 0 : i32
      %dma_start3A_201 = tpu.memref_slice %arg13[%dma_start3A_198, %dma_start3A_199, %dma_start3A_200] : memref<2x80x128xf32, #tpu.memory_space<vmem>> -> memref<1x80x128xf32, #tpu.memory_space<vmem>>
      %dma_start3A_202 = tpu.memref_squeeze %dma_start3A_201 : memref<1x80x128xf32, #tpu.memory_space<vmem>> -> memref<80x128xf32, #tpu.memory_space<vmem>>
      %dma_start3A_203 = arith.constant 0 : i32
      %dma_start3A_204 = tpu.memref_slice %arg12[%add3A_197, %dma_start3A_203] : memref<125x80xi32, #tpu.memory_space<vmem>> -> memref<1x80xi32, #tpu.memory_space<vmem>>
      %dma_start3A_205 = tpu.memref_squeeze %dma_start3A_204 : memref<1x80xi32, #tpu.memory_space<vmem>> -> memref<80xi32, #tpu.memory_space<vmem>>
      %dma_start3A_206 = arith.constant 0 : i32
      %dma_start3A_207 = arith.constant 0 : i32
      %dma_start3A_208 = tpu.memref_slice %arg9[%dma_start3A_206, %dma_start3A_207] : memref<10240x128xf32, #tpu.memory_space<vmem_shared>> -> memref<10240x128xf32, #tpu.memory_space<vmem_shared>>
      tpu.enqueue_indirect_dma source(%dma_start3A_202 : memref<80x128xf32, #tpu.memory_space<vmem>>) target(%dma_start3A_208 : memref<10240x128xf32, #tpu.memory_space<vmem_shared>>) offsets(%dma_start3A_205 : memref<80xi32, #tpu.memory_space<vmem>>) semaphore(%arg16 : memref<!tpu.dma_semaphore, #tpu.memory_space<semaphore_mem>>) {add = true}
      %dma_start3A_209 = arith.constant 0 : i32
      %dma_start3A_210 = tpu.memref_slice %arg12[%add3A_197, %dma_start3A_209] : memref<125x80xi32, #tpu.memory_space<vmem>> -> memref<1x80xi32, #tpu.memory_space<vmem>>
      %dma_start3A_211 = tpu.memref_squeeze %dma_start3A_210 : memref<1x80xi32, #tpu.memory_space<vmem>> -> memref<80xi32, #tpu.memory_space<vmem>>
      %dma_start3A_212 = arith.constant 0 : i32
      %dma_start3A_213 = tpu.memref_slice %arg10[%dma_start3A_212] : memref<10240xf32, #tpu.memory_space<vmem_shared>> -> memref<10240xf32, #tpu.memory_space<vmem_shared>>
      tpu.enqueue_indirect_dma source(%arg14 : memref<80xf32, #tpu.memory_space<vmem>>) target(%dma_start3A_213 : memref<10240xf32, #tpu.memory_space<vmem_shared>>) offsets(%dma_start3A_211 : memref<80xi32, #tpu.memory_space<vmem>>) semaphore(%arg17 : memref<!tpu.dma_semaphore, #tpu.memory_space<semaphore_mem>>) {add = true}
      %dma_wait3A_214 = arith.constant 1 : i32
      %dma_wait3A_215 = arith.constant 0 : i32
      %dma_wait3A_216 = arith.constant 0 : i32
      %dma_wait3A_217 = tpu.memref_slice %arg13[%dma_wait3A_214, %dma_wait3A_215, %dma_wait3A_216] : memref<2x80x128xf32, #tpu.memory_space<vmem>> -> memref<1x80x128xf32, #tpu.memory_space<vmem>>
      %dma_wait3A_218 = tpu.memref_squeeze %dma_wait3A_217 : memref<1x80x128xf32, #tpu.memory_space<vmem>> -> memref<80x128xf32, #tpu.memory_space<vmem>>
      %dma_wait3A_219 = arith.constant 0 : i32
      %dma_wait3A_220 = tpu.memref_slice %arg12[%add3A_197, %dma_wait3A_219] : memref<125x80xi32, #tpu.memory_space<vmem>> -> memref<1x80xi32, #tpu.memory_space<vmem>>
      %dma_wait3A_221 = tpu.memref_squeeze %dma_wait3A_220 : memref<1x80xi32, #tpu.memory_space<vmem>> -> memref<80xi32, #tpu.memory_space<vmem>>
      %dma_wait3A_222 = arith.constant 0 : i32
      %dma_wait3A_223 = arith.constant 0 : i32
      %dma_wait3A_224 = tpu.memref_slice %arg9[%dma_wait3A_222, %dma_wait3A_223] : memref<10240x128xf32, #tpu.memory_space<vmem_shared>> -> memref<10240x128xf32, #tpu.memory_space<vmem_shared>>
      tpu.wait_indirect_dma semaphore(%arg16 : memref<!tpu.dma_semaphore, #tpu.memory_space<semaphore_mem>>) src(%dma_wait3A_218 : memref<80x128xf32, #tpu.memory_space<vmem>>) dst(%dma_wait3A_224 : memref<10240x128xf32, #tpu.memory_space<vmem_shared>>)
      %dma_wait3A_225 = arith.constant 0 : i32
      %dma_wait3A_226 = tpu.memref_slice %arg12[%add3A_197, %dma_wait3A_225] : memref<125x80xi32, #tpu.memory_space<vmem>> -> memref<1x80xi32, #tpu.memory_space<vmem>>
      %dma_wait3A_227 = tpu.memref_squeeze %dma_wait3A_226 : memref<1x80xi32, #tpu.memory_space<vmem>> -> memref<80xi32, #tpu.memory_space<vmem>>
      %dma_wait3A_228 = arith.constant 0 : i32
      %dma_wait3A_229 = tpu.memref_slice %arg10[%dma_wait3A_228] : memref<10240xf32, #tpu.memory_space<vmem_shared>> -> memref<10240xf32, #tpu.memory_space<vmem_shared>>
      tpu.wait_indirect_dma semaphore(%arg17 : memref<!tpu.dma_semaphore, #tpu.memory_space<semaphore_mem>>) src(%arg14 : memref<80xf32, #tpu.memory_space<vmem>>) dst(%dma_wait3A_229 : memref<10240xf32, #tpu.memory_space<vmem_shared>>)
    }
    %scan3A_48 = arith.constant 62 : i32
    %dma_wait3A = arith.constant 0 : i32
    %dma_wait3A_49 = arith.constant 0 : i32
    %dma_wait3A_50 = arith.constant 0 : i32
    %dma_wait3A_51 = tpu.memref_slice %arg13[%dma_wait3A, %dma_wait3A_49, %dma_wait3A_50] : memref<2x80x128xf32, #tpu.memory_space<vmem>> -> memref<1x80x128xf32, #tpu.memory_space<vmem>>
    %dma_wait3A_52 = tpu.memref_squeeze %dma_wait3A_51 : memref<1x80x128xf32, #tpu.memory_space<vmem>> -> memref<80x128xf32, #tpu.memory_space<vmem>>
    %dma_wait3A_53 = arith.constant 0 : i32
    %dma_wait3A_54 = arith.constant 0 : i32
    %dma_wait3A_55 = tpu.memref_slice %arg2[%dma_wait3A_53, %dma_wait3A_54] : memref<10240x128xf32, #tpu.memory_space<hbm>> -> memref<80x128xf32, #tpu.memory_space<hbm>>
    %dma_wait3A_56 = arith.constant 0 : i32
    %dma_wait3A_57 = arith.constant 0 : i32
    %dma_wait3A_58 = tpu.memref_slice %arg13[%dma_wait3A, %dma_wait3A_56, %dma_wait3A_57] : memref<2x80x128xf32, #tpu.memory_space<vmem>> -> memref<1x80x128xf32, #tpu.memory_space<vmem>>
    %dma_wait3A_59 = tpu.memref_squeeze %dma_wait3A_58 : memref<1x80x128xf32, #tpu.memory_space<vmem>> -> memref<80x128xf32, #tpu.memory_space<vmem>>
    %dma_wait3A_60 = arith.constant 0 : i32
    %dma_wait3A_61 = arith.constant 0 : i32
    %dma_wait3A_62 = tpu.memref_slice %arg2[%dma_wait3A_60, %dma_wait3A_61] : memref<10240x128xf32, #tpu.memory_space<hbm>> -> memref<80x128xf32, #tpu.memory_space<hbm>>
    tpu.wait_dma2 semaphore(%arg15 : memref<!tpu.dma_semaphore, #tpu.memory_space<semaphore_mem>>) src(%dma_wait3A_62 : memref<80x128xf32, #tpu.memory_space<hbm>>) dst(%dma_wait3A_59 : memref<80x128xf32, #tpu.memory_space<vmem>>)
    %dma_start3A_63 = arith.constant 0 : i32
    %dma_start3A_64 = arith.constant 124 : i32
    %dma_start3A_65 = arith.constant 0 : i32
    %dma_start3A_66 = arith.constant 0 : i32
    %dma_start3A_67 = tpu.memref_slice %arg13[%dma_start3A_63, %dma_start3A_65, %dma_start3A_66] : memref<2x80x128xf32, #tpu.memory_space<vmem>> -> memref<1x80x128xf32, #tpu.memory_space<vmem>>
    %dma_start3A_68 = tpu.memref_squeeze %dma_start3A_67 : memref<1x80x128xf32, #tpu.memory_space<vmem>> -> memref<80x128xf32, #tpu.memory_space<vmem>>
    %dma_start3A_69 = arith.constant 0 : i32
    %dma_start3A_70 = tpu.memref_slice %arg12[%dma_start3A_64, %dma_start3A_69] : memref<125x80xi32, #tpu.memory_space<vmem>> -> memref<1x80xi32, #tpu.memory_space<vmem>>
    %dma_start3A_71 = tpu.memref_squeeze %dma_start3A_70 : memref<1x80xi32, #tpu.memory_space<vmem>> -> memref<80xi32, #tpu.memory_space<vmem>>
    %dma_start3A_72 = arith.constant 0 : i32
    %dma_start3A_73 = arith.constant 0 : i32
    %dma_start3A_74 = tpu.memref_slice %arg9[%dma_start3A_72, %dma_start3A_73] : memref<10240x128xf32, #tpu.memory_space<vmem_shared>> -> memref<10240x128xf32, #tpu.memory_space<vmem_shared>>
    tpu.enqueue_indirect_dma source(%dma_start3A_68 : memref<80x128xf32, #tpu.memory_space<vmem>>) target(%dma_start3A_74 : memref<10240x128xf32, #tpu.memory_space<vmem_shared>>) offsets(%dma_start3A_71 : memref<80xi32, #tpu.memory_space<vmem>>) semaphore(%arg16 : memref<!tpu.dma_semaphore, #tpu.memory_space<semaphore_mem>>) {add = true}
    %dma_start3A_75 = arith.constant 124 : i32
    %dma_start3A_76 = arith.constant 0 : i32
    %dma_start3A_77 = tpu.memref_slice %arg12[%dma_start3A_75, %dma_start3A_76] : memref<125x80xi32, #tpu.memory_space<vmem>> -> memref<1x80xi32, #tpu.memory_space<vmem>>
    %dma_start3A_78 = tpu.memref_squeeze %dma_start3A_77 : memref<1x80xi32, #tpu.memory_space<vmem>> -> memref<80xi32, #tpu.memory_space<vmem>>
    %dma_start3A_79 = arith.constant 0 : i32
    %dma_start3A_80 = tpu.memref_slice %arg10[%dma_start3A_79] : memref<10240xf32, #tpu.memory_space<vmem_shared>> -> memref<10240xf32, #tpu.memory_space<vmem_shared>>
    tpu.enqueue_indirect_dma source(%arg14 : memref<80xf32, #tpu.memory_space<vmem>>) target(%dma_start3A_80 : memref<10240xf32, #tpu.memory_space<vmem_shared>>) offsets(%dma_start3A_78 : memref<80xi32, #tpu.memory_space<vmem>>) semaphore(%arg17 : memref<!tpu.dma_semaphore, #tpu.memory_space<semaphore_mem>>) {add = true}
    %dma_wait3A_81 = arith.constant 0 : i32
    %dma_wait3A_82 = arith.constant 124 : i32
    %dma_wait3A_83 = arith.constant 0 : i32
    %dma_wait3A_84 = arith.constant 0 : i32
    %dma_wait3A_85 = tpu.memref_slice %arg13[%dma_wait3A_81, %dma_wait3A_83, %dma_wait3A_84] : memref<2x80x128xf32, #tpu.memory_space<vmem>> -> memref<1x80x128xf32, #tpu.memory_space<vmem>>
    %dma_wait3A_86 = tpu.memref_squeeze %dma_wait3A_85 : memref<1x80x128xf32, #tpu.memory_space<vmem>> -> memref<80x128xf32, #tpu.memory_space<vmem>>
    %dma_wait3A_87 = arith.constant 0 : i32
    %dma_wait3A_88 = tpu.memref_slice %arg12[%dma_wait3A_82, %dma_wait3A_87] : memref<125x80xi32, #tpu.memory_space<vmem>> -> memref<1x80xi32, #tpu.memory_space<vmem>>
    %dma_wait3A_89 = tpu.memref_squeeze %dma_wait3A_88 : memref<1x80xi32, #tpu.memory_space<vmem>> -> memref<80xi32, #tpu.memory_space<vmem>>
    %dma_wait3A_90 = arith.constant 0 : i32
    %dma_wait3A_91 = arith.constant 0 : i32
    %dma_wait3A_92 = tpu.memref_slice %arg9[%dma_wait3A_90, %dma_wait3A_91] : memref<10240x128xf32, #tpu.memory_space<vmem_shared>> -> memref<10240x128xf32, #tpu.memory_space<vmem_shared>>
    tpu.wait_indirect_dma semaphore(%arg16 : memref<!tpu.dma_semaphore, #tpu.memory_space<semaphore_mem>>) src(%dma_wait3A_86 : memref<80x128xf32, #tpu.memory_space<vmem>>) dst(%dma_wait3A_92 : memref<10240x128xf32, #tpu.memory_space<vmem_shared>>)
    %dma_wait3A_93 = arith.constant 124 : i32
    %dma_wait3A_94 = arith.constant 0 : i32
    %dma_wait3A_95 = tpu.memref_slice %arg12[%dma_wait3A_93, %dma_wait3A_94] : memref<125x80xi32, #tpu.memory_space<vmem>> -> memref<1x80xi32, #tpu.memory_space<vmem>>
    %dma_wait3A_96 = tpu.memref_squeeze %dma_wait3A_95 : memref<1x80xi32, #tpu.memory_space<vmem>> -> memref<80xi32, #tpu.memory_space<vmem>>
    %dma_wait3A_97 = arith.constant 0 : i32
    %dma_wait3A_98 = tpu.memref_slice %arg10[%dma_wait3A_97] : memref<10240xf32, #tpu.memory_space<vmem_shared>> -> memref<10240xf32, #tpu.memory_space<vmem_shared>>
    tpu.wait_indirect_dma semaphore(%arg17 : memref<!tpu.dma_semaphore, #tpu.memory_space<semaphore_mem>>) src(%arg14 : memref<80xf32, #tpu.memory_space<vmem>>) dst(%dma_wait3A_98 : memref<10240xf32, #tpu.memory_space<vmem_shared>>)
    %barrier3A_99 = arith.constant 0 : index
    tpu.barrier barrier_id(%barrier3A_99)
    %mul3A_100 = arith.constant 640 : i32
    %mul3A_101 = arith.muli %arg1, %mul3A_100 : i32
    %mul3A_102 = arith.constant 10240 : i32
    %mul3A_103 = arith.muli %arg0, %mul3A_102 : i32
    %mul3A_104 = arith.constant 640 : i32
    %mul3A_105 = arith.muli %arg1, %mul3A_104 : i32
    %add3A_106 = arith.addi %mul3A_103, %mul3A_105 : i32
    "tpu.region"() ({
      %run_scoped3A = tpu.sem_alloc : memref<!tpu.dma_semaphore, #tpu.memory_space<semaphore_mem>>
      %dma_start3A_112 = arith.constant 0 : i32
      %dma_start3A_113 = tpu.memref_slice %arg7[%add3A_106, %dma_start3A_112] : memref<20480x128xf32, #tpu.memory_space<hbm>> -> memref<640x128xf32, #tpu.memory_space<hbm>>
      %dma_start3A_114 = arith.constant 0 : i32
      %dma_start3A_115 = tpu.memref_slice %arg9[%mul3A_101, %dma_start3A_114] : memref<10240x128xf32, #tpu.memory_space<vmem_shared>> -> memref<640x128xf32, #tpu.memory_space<vmem_shared>>
      tpu.enqueue_dma source(%dma_start3A_115 : memref<640x128xf32, #tpu.memory_space<vmem_shared>>) target(%dma_start3A_113 : memref<640x128xf32, #tpu.memory_space<hbm>>) target_semaphore(%run_scoped3A : memref<!tpu.dma_semaphore, #tpu.memory_space<semaphore_mem>>)
      %dma_wait3A_116 = arith.constant 0 : i32
      %dma_wait3A_117 = tpu.memref_slice %arg7[%add3A_106, %dma_wait3A_116] : memref<20480x128xf32, #tpu.memory_space<hbm>> -> memref<640x128xf32, #tpu.memory_space<hbm>>
      %dma_wait3A_118 = arith.constant 0 : i32
      %dma_wait3A_119 = tpu.memref_slice %arg9[%mul3A_101, %dma_wait3A_118] : memref<10240x128xf32, #tpu.memory_space<vmem_shared>> -> memref<640x128xf32, #tpu.memory_space<vmem_shared>>
      tpu.wait_dma2 semaphore(%run_scoped3A : memref<!tpu.dma_semaphore, #tpu.memory_space<semaphore_mem>>) src(%dma_wait3A_119 : memref<640x128xf32, #tpu.memory_space<vmem_shared>>) dst(%dma_wait3A_117 : memref<640x128xf32, #tpu.memory_space<hbm>>)
      tpu.yield
    }) : () -> ()
    %eq3A_107 = arith.constant 0 : i32
    %eq3A_108 = arith.cmpi eq, %arg1, %eq3A_107 : i32
    %convert_element_type3A_109 = arith.extui %eq3A_108 : i1 to i32
    %cond3A_110 = arith.constant 0 : i32
    %cond3A_111 = arith.cmpi ne, %convert_element_type3A_109, %cond3A_110 : i32
    scf.if %cond3A_111 {
      %mul3A_112 = arith.constant 10240 : i32
      %mul3A_113 = arith.muli %arg0, %mul3A_112 : i32
      "tpu.region"() ({
        %run_scoped3A = tpu.sem_alloc : memref<!tpu.dma_semaphore, #tpu.memory_space<semaphore_mem>>
        %dma_start3A_114 = tpu.memref_slice %arg8[%mul3A_113] : memref<20480xf32, #tpu.memory_space<hbm>> -> memref<10240xf32, #tpu.memory_space<hbm>>
        tpu.enqueue_dma source(%arg10 : memref<10240xf32, #tpu.memory_space<vmem_shared>>) target(%dma_start3A_114 : memref<10240xf32, #tpu.memory_space<hbm>>) target_semaphore(%run_scoped3A : memref<!tpu.dma_semaphore, #tpu.memory_space<semaphore_mem>>)
        %dma_wait3A_115 = tpu.memref_slice %arg8[%mul3A_113] : memref<20480xf32, #tpu.memory_space<hbm>> -> memref<10240xf32, #tpu.memory_space<hbm>>
        tpu.wait_dma2 semaphore(%run_scoped3A : memref<!tpu.dma_semaphore, #tpu.memory_space<semaphore_mem>>) src(%arg10 : memref<10240xf32, #tpu.memory_space<vmem_shared>>) dst(%dma_wait3A_115 : memref<10240xf32, #tpu.memory_space<hbm>>)
        tpu.yield
      }) : () -> ()
    } else {
    }
    return
  }
}

#map = affine_map<(d0, d1) -> (0, 0)>
#map1 = affine_map<(d0, d1) -> (0, 0, 0)>
module attributes {stable_mosaic.version = 14 : i64} {
  func.func @_sc_agg_body(%arg0: i32, %arg1: i32, %arg2: memref<10240x128xf32, #tpu.memory_space<hbm>>, %arg3: memref<32x10000xi32, #tpu.memory_space<hbm>>, %arg4: memref<32x125x80xi32, #tpu.memory_space<hbm>>, %arg5: memref<10240x128xf32, #tpu.memory_space<hbm>>, %arg6: memref<20480x128xf32, #tpu.memory_space<hbm>>, %arg7: memref<10240x128xf32, #tpu.memory_space<vmem_shared>>, %arg8: memref<10000xi32, #tpu.memory_space<vmem>>, %arg9: memref<125x80xi32, #tpu.memory_space<vmem>>, %arg10: memref<2x80x128xf32, #tpu.memory_space<vmem>>, %arg11: memref<!tpu.dma_semaphore, #tpu.memory_space<semaphore_mem>>, %arg12: memref<!tpu.dma_semaphore, #tpu.memory_space<semaphore_mem>>) attributes {dimension_semantics = [#tpu.dimension_semantics<core_parallel>, #tpu.dimension_semantics<subcore_parallel>], iteration_bounds = array<i64: 2, 16>, scalar_prefetch = 0 : i64, scratch_operands = 6 : i64, tpu.core_type = #tpu.core_type<sc_vector_subcore>, window_params = [{transform_indices = #map}, {transform_indices = #map}, {transform_indices = #map1}, {transform_indices = #map}, {transform_indices = #map}]} {
    %mul3A = arith.constant 16 : i32
    %mul3A_0 = arith.muli %arg0, %mul3A : i32
    %add3A = arith.addi %mul3A_0, %arg1 : i32
    %mul3A_1 = arith.constant 640 : i32
    %mul3A_2 = arith.muli %arg1, %mul3A_1 : i32
    %mul3A_3 = arith.constant 640 : i32
    %mul3A_4 = arith.muli %arg1, %mul3A_3 : i32
    "tpu.region"() ({
      %run_scoped3A = tpu.sem_alloc : memref<!tpu.dma_semaphore, #tpu.memory_space<semaphore_mem>>
      %dma_start3A_65 = arith.constant 0 : i32
      %dma_start3A_66 = tpu.memref_slice %arg7[%mul3A_4, %dma_start3A_65] : memref<10240x128xf32, #tpu.memory_space<vmem_shared>> -> memref<640x128xf32, #tpu.memory_space<vmem_shared>>
      %dma_start3A_67 = arith.constant 0 : i32
      %dma_start3A_68 = tpu.memref_slice %arg5[%mul3A_2, %dma_start3A_67] : memref<10240x128xf32, #tpu.memory_space<hbm>> -> memref<640x128xf32, #tpu.memory_space<hbm>>
      tpu.enqueue_dma source(%dma_start3A_68 : memref<640x128xf32, #tpu.memory_space<hbm>>) target(%dma_start3A_66 : memref<640x128xf32, #tpu.memory_space<vmem_shared>>) target_semaphore(%run_scoped3A : memref<!tpu.dma_semaphore, #tpu.memory_space<semaphore_mem>>)
      %dma_wait3A_69 = arith.constant 0 : i32
      %dma_wait3A_70 = tpu.memref_slice %arg7[%mul3A_4, %dma_wait3A_69] : memref<10240x128xf32, #tpu.memory_space<vmem_shared>> -> memref<640x128xf32, #tpu.memory_space<vmem_shared>>
      %dma_wait3A_71 = arith.constant 0 : i32
      %dma_wait3A_72 = tpu.memref_slice %arg5[%mul3A_2, %dma_wait3A_71] : memref<10240x128xf32, #tpu.memory_space<hbm>> -> memref<640x128xf32, #tpu.memory_space<hbm>>
      tpu.wait_dma2 semaphore(%run_scoped3A : memref<!tpu.dma_semaphore, #tpu.memory_space<semaphore_mem>>) src(%dma_wait3A_72 : memref<640x128xf32, #tpu.memory_space<hbm>>) dst(%dma_wait3A_70 : memref<640x128xf32, #tpu.memory_space<vmem_shared>>)
      tpu.yield
    }) : () -> ()
    "tpu.region"() ({
      %run_scoped3A = tpu.sem_alloc : memref<!tpu.dma_semaphore, #tpu.memory_space<semaphore_mem>>
      %dma_start3A_65 = arith.constant 0 : i32
      %dma_start3A_66 = tpu.memref_slice %arg3[%add3A, %dma_start3A_65] : memref<32x10000xi32, #tpu.memory_space<hbm>> -> memref<1x10000xi32, #tpu.memory_space<hbm>>
      %dma_start3A_67 = tpu.memref_squeeze %dma_start3A_66 : memref<1x10000xi32, #tpu.memory_space<hbm>> -> memref<10000xi32, #tpu.memory_space<hbm>>
      %dma_start3A_68 = arith.constant 0 : i32
      %dma_start3A_69 = tpu.memref_slice %arg3[%add3A, %dma_start3A_68] : memref<32x10000xi32, #tpu.memory_space<hbm>> -> memref<1x10000xi32, #tpu.memory_space<hbm>>
      %dma_start3A_70 = tpu.memref_squeeze %dma_start3A_69 : memref<1x10000xi32, #tpu.memory_space<hbm>> -> memref<10000xi32, #tpu.memory_space<hbm>>
      tpu.enqueue_dma source(%dma_start3A_70 : memref<10000xi32, #tpu.memory_space<hbm>>) target(%arg8 : memref<10000xi32, #tpu.memory_space<vmem>>) target_semaphore(%run_scoped3A : memref<!tpu.dma_semaphore, #tpu.memory_space<semaphore_mem>>)
      %dma_wait3A_71 = arith.constant 0 : i32
      %dma_wait3A_72 = tpu.memref_slice %arg3[%add3A, %dma_wait3A_71] : memref<32x10000xi32, #tpu.memory_space<hbm>> -> memref<1x10000xi32, #tpu.memory_space<hbm>>
      %dma_wait3A_73 = tpu.memref_squeeze %dma_wait3A_72 : memref<1x10000xi32, #tpu.memory_space<hbm>> -> memref<10000xi32, #tpu.memory_space<hbm>>
      %dma_wait3A_74 = arith.constant 0 : i32
      %dma_wait3A_75 = tpu.memref_slice %arg3[%add3A, %dma_wait3A_74] : memref<32x10000xi32, #tpu.memory_space<hbm>> -> memref<1x10000xi32, #tpu.memory_space<hbm>>
      %dma_wait3A_76 = tpu.memref_squeeze %dma_wait3A_75 : memref<1x10000xi32, #tpu.memory_space<hbm>> -> memref<10000xi32, #tpu.memory_space<hbm>>
      tpu.wait_dma2 semaphore(%run_scoped3A : memref<!tpu.dma_semaphore, #tpu.memory_space<semaphore_mem>>) src(%dma_wait3A_76 : memref<10000xi32, #tpu.memory_space<hbm>>) dst(%arg8 : memref<10000xi32, #tpu.memory_space<vmem>>)
      tpu.yield
    }) : () -> ()
    "tpu.region"() ({
      %run_scoped3A = tpu.sem_alloc : memref<!tpu.dma_semaphore, #tpu.memory_space<semaphore_mem>>
      %dma_start3A_65 = arith.constant 0 : i32
      %dma_start3A_66 = arith.constant 0 : i32
      %dma_start3A_67 = tpu.memref_slice %arg4[%add3A, %dma_start3A_65, %dma_start3A_66] : memref<32x125x80xi32, #tpu.memory_space<hbm>> -> memref<1x125x80xi32, #tpu.memory_space<hbm>>
      %dma_start3A_68 = tpu.memref_squeeze %dma_start3A_67 : memref<1x125x80xi32, #tpu.memory_space<hbm>> -> memref<125x80xi32, #tpu.memory_space<hbm>>
      %dma_start3A_69 = arith.constant 0 : i32
      %dma_start3A_70 = arith.constant 0 : i32
      %dma_start3A_71 = tpu.memref_slice %arg4[%add3A, %dma_start3A_69, %dma_start3A_70] : memref<32x125x80xi32, #tpu.memory_space<hbm>> -> memref<1x125x80xi32, #tpu.memory_space<hbm>>
      %dma_start3A_72 = tpu.memref_squeeze %dma_start3A_71 : memref<1x125x80xi32, #tpu.memory_space<hbm>> -> memref<125x80xi32, #tpu.memory_space<hbm>>
      tpu.enqueue_dma source(%dma_start3A_72 : memref<125x80xi32, #tpu.memory_space<hbm>>) target(%arg9 : memref<125x80xi32, #tpu.memory_space<vmem>>) target_semaphore(%run_scoped3A : memref<!tpu.dma_semaphore, #tpu.memory_space<semaphore_mem>>)
      %dma_wait3A_73 = arith.constant 0 : i32
      %dma_wait3A_74 = arith.constant 0 : i32
      %dma_wait3A_75 = tpu.memref_slice %arg4[%add3A, %dma_wait3A_73, %dma_wait3A_74] : memref<32x125x80xi32, #tpu.memory_space<hbm>> -> memref<1x125x80xi32, #tpu.memory_space<hbm>>
      %dma_wait3A_76 = tpu.memref_squeeze %dma_wait3A_75 : memref<1x125x80xi32, #tpu.memory_space<hbm>> -> memref<125x80xi32, #tpu.memory_space<hbm>>
      %dma_wait3A_77 = arith.constant 0 : i32
      %dma_wait3A_78 = arith.constant 0 : i32
      %dma_wait3A_79 = tpu.memref_slice %arg4[%add3A, %dma_wait3A_77, %dma_wait3A_78] : memref<32x125x80xi32, #tpu.memory_space<hbm>> -> memref<1x125x80xi32, #tpu.memory_space<hbm>>
      %dma_wait3A_80 = tpu.memref_squeeze %dma_wait3A_79 : memref<1x125x80xi32, #tpu.memory_space<hbm>> -> memref<125x80xi32, #tpu.memory_space<hbm>>
      tpu.wait_dma2 semaphore(%run_scoped3A : memref<!tpu.dma_semaphore, #tpu.memory_space<semaphore_mem>>) src(%dma_wait3A_80 : memref<125x80xi32, #tpu.memory_space<hbm>>) dst(%arg9 : memref<125x80xi32, #tpu.memory_space<vmem>>)
      tpu.yield
    }) : () -> ()
    %barrier3A = arith.constant 0 : index
    tpu.barrier barrier_id(%barrier3A)
    %dma_start3A = arith.constant 0 : i32
    %dma_start3A_5 = arith.constant 0 : i32
    %dma_start3A_6 = arith.constant 0 : i32
    %dma_start3A_7 = tpu.memref_slice %arg10[%dma_start3A, %dma_start3A_5, %dma_start3A_6] : memref<2x80x128xf32, #tpu.memory_space<vmem>> -> memref<1x80x128xf32, #tpu.memory_space<vmem>>
    %dma_start3A_8 = tpu.memref_squeeze %dma_start3A_7 : memref<1x80x128xf32, #tpu.memory_space<vmem>> -> memref<80x128xf32, #tpu.memory_space<vmem>>
    %dma_start3A_9 = arith.constant 0 : i32
    %dma_start3A_10 = tpu.memref_slice %arg8[%dma_start3A_9] : memref<10000xi32, #tpu.memory_space<vmem>> -> memref<80xi32, #tpu.memory_space<vmem>>
    %dma_start3A_11 = arith.constant 0 : i32
    %dma_start3A_12 = arith.constant 0 : i32
    %dma_start3A_13 = tpu.memref_slice %arg2[%dma_start3A_11, %dma_start3A_12] : memref<10240x128xf32, #tpu.memory_space<hbm>> -> memref<10240x128xf32, #tpu.memory_space<hbm>>
    tpu.enqueue_indirect_dma source(%dma_start3A_13 : memref<10240x128xf32, #tpu.memory_space<hbm>>) target(%dma_start3A_8 : memref<80x128xf32, #tpu.memory_space<vmem>>) offsets(%dma_start3A_10 : memref<80xi32, #tpu.memory_space<vmem>>) semaphore(%arg11 : memref<!tpu.dma_semaphore, #tpu.memory_space<semaphore_mem>>)
    %scan3A = arith.constant 0 : i32
    %scan3A_14 = arith.constant 0 : i32
    %scan3A_15 = arith.constant 62 : i32
    %scan3A_16 = arith.addi %scan3A_14, %scan3A_15 : i32
    %scan3A_17 = arith.constant 1 : i32
    scf.for %scan3A_65 = %scan3A_14 to %scan3A_16 step %scan3A_17  : i32 {
      %mul3A_66 = arith.constant 2 : i32
      %mul3A_67 = arith.muli %mul3A_66, %scan3A_65 : i32
      %dma_wait3A_68 = arith.constant 0 : i32
      %dma_wait3A_69 = arith.constant 0 : i32
      %dma_wait3A_70 = arith.constant 0 : i32
      %dma_wait3A_71 = tpu.memref_slice %arg10[%dma_wait3A_68, %dma_wait3A_69, %dma_wait3A_70] : memref<2x80x128xf32, #tpu.memory_space<vmem>> -> memref<1x80x128xf32, #tpu.memory_space<vmem>>
      %dma_wait3A_72 = tpu.memref_squeeze %dma_wait3A_71 : memref<1x80x128xf32, #tpu.memory_space<vmem>> -> memref<80x128xf32, #tpu.memory_space<vmem>>
      %dma_wait3A_73 = arith.constant 0 : i32
      %dma_wait3A_74 = arith.constant 0 : i32
      %dma_wait3A_75 = tpu.memref_slice %arg2[%dma_wait3A_73, %dma_wait3A_74] : memref<10240x128xf32, #tpu.memory_space<hbm>> -> memref<80x128xf32, #tpu.memory_space<hbm>>
      %dma_wait3A_76 = arith.constant 0 : i32
      %dma_wait3A_77 = arith.constant 0 : i32
      %dma_wait3A_78 = tpu.memref_slice %arg10[%dma_wait3A_68, %dma_wait3A_76, %dma_wait3A_77] : memref<2x80x128xf32, #tpu.memory_space<vmem>> -> memref<1x80x128xf32, #tpu.memory_space<vmem>>
      %dma_wait3A_79 = tpu.memref_squeeze %dma_wait3A_78 : memref<1x80x128xf32, #tpu.memory_space<vmem>> -> memref<80x128xf32, #tpu.memory_space<vmem>>
      %dma_wait3A_80 = arith.constant 0 : i32
      %dma_wait3A_81 = arith.constant 0 : i32
      %dma_wait3A_82 = tpu.memref_slice %arg2[%dma_wait3A_80, %dma_wait3A_81] : memref<10240x128xf32, #tpu.memory_space<hbm>> -> memref<80x128xf32, #tpu.memory_space<hbm>>
      tpu.wait_dma2 semaphore(%arg11 : memref<!tpu.dma_semaphore, #tpu.memory_space<semaphore_mem>>) src(%dma_wait3A_82 : memref<80x128xf32, #tpu.memory_space<hbm>>) dst(%dma_wait3A_79 : memref<80x128xf32, #tpu.memory_space<vmem>>)
      %add3A_83 = arith.constant 1 : i32
      %add3A_84 = arith.addi %mul3A_67, %add3A_83 : i32
      %mul3A_85 = arith.constant 80 : i32
      %mul3A_86 = arith.muli %add3A_84, %mul3A_85 : i32
      %dma_start3A_87 = arith.constant 1 : i32
      %dma_start3A_88 = arith.constant 0 : i32
      %dma_start3A_89 = arith.constant 0 : i32
      %dma_start3A_90 = tpu.memref_slice %arg10[%dma_start3A_87, %dma_start3A_88, %dma_start3A_89] : memref<2x80x128xf32, #tpu.memory_space<vmem>> -> memref<1x80x128xf32, #tpu.memory_space<vmem>>
      %dma_start3A_91 = tpu.memref_squeeze %dma_start3A_90 : memref<1x80x128xf32, #tpu.memory_space<vmem>> -> memref<80x128xf32, #tpu.memory_space<vmem>>
      %dma_start3A_92 = tpu.memref_slice %arg8[%mul3A_86] : memref<10000xi32, #tpu.memory_space<vmem>> -> memref<80xi32, #tpu.memory_space<vmem>>
      %dma_start3A_93 = arith.constant 0 : i32
      %dma_start3A_94 = arith.constant 0 : i32
      %dma_start3A_95 = tpu.memref_slice %arg2[%dma_start3A_93, %dma_start3A_94] : memref<10240x128xf32, #tpu.memory_space<hbm>> -> memref<10240x128xf32, #tpu.memory_space<hbm>>
      tpu.enqueue_indirect_dma source(%dma_start3A_95 : memref<10240x128xf32, #tpu.memory_space<hbm>>) target(%dma_start3A_91 : memref<80x128xf32, #tpu.memory_space<vmem>>) offsets(%dma_start3A_92 : memref<80xi32, #tpu.memory_space<vmem>>) semaphore(%arg11 : memref<!tpu.dma_semaphore, #tpu.memory_space<semaphore_mem>>)
      %dma_start3A_96 = arith.constant 0 : i32
      %dma_start3A_97 = arith.constant 0 : i32
      %dma_start3A_98 = arith.constant 0 : i32
      %dma_start3A_99 = tpu.memref_slice %arg10[%dma_start3A_96, %dma_start3A_97, %dma_start3A_98] : memref<2x80x128xf32, #tpu.memory_space<vmem>> -> memref<1x80x128xf32, #tpu.memory_space<vmem>>
      %dma_start3A_100 = tpu.memref_squeeze %dma_start3A_99 : memref<1x80x128xf32, #tpu.memory_space<vmem>> -> memref<80x128xf32, #tpu.memory_space<vmem>>
      %dma_start3A_101 = arith.constant 0 : i32
      %dma_start3A_102 = tpu.memref_slice %arg9[%mul3A_67, %dma_start3A_101] : memref<125x80xi32, #tpu.memory_space<vmem>> -> memref<1x80xi32, #tpu.memory_space<vmem>>
      %dma_start3A_103 = tpu.memref_squeeze %dma_start3A_102 : memref<1x80xi32, #tpu.memory_space<vmem>> -> memref<80xi32, #tpu.memory_space<vmem>>
      %dma_start3A_104 = arith.constant 0 : i32
      %dma_start3A_105 = arith.constant 0 : i32
      %dma_start3A_106 = tpu.memref_slice %arg7[%dma_start3A_104, %dma_start3A_105] : memref<10240x128xf32, #tpu.memory_space<vmem_shared>> -> memref<10240x128xf32, #tpu.memory_space<vmem_shared>>
      tpu.enqueue_indirect_dma source(%dma_start3A_100 : memref<80x128xf32, #tpu.memory_space<vmem>>) target(%dma_start3A_106 : memref<10240x128xf32, #tpu.memory_space<vmem_shared>>) offsets(%dma_start3A_103 : memref<80xi32, #tpu.memory_space<vmem>>) semaphore(%arg12 : memref<!tpu.dma_semaphore, #tpu.memory_space<semaphore_mem>>) {add = true}
      %dma_wait3A_107 = arith.constant 0 : i32
      %dma_wait3A_108 = arith.constant 0 : i32
      %dma_wait3A_109 = arith.constant 0 : i32
      %dma_wait3A_110 = tpu.memref_slice %arg10[%dma_wait3A_107, %dma_wait3A_108, %dma_wait3A_109] : memref<2x80x128xf32, #tpu.memory_space<vmem>> -> memref<1x80x128xf32, #tpu.memory_space<vmem>>
      %dma_wait3A_111 = tpu.memref_squeeze %dma_wait3A_110 : memref<1x80x128xf32, #tpu.memory_space<vmem>> -> memref<80x128xf32, #tpu.memory_space<vmem>>
      %dma_wait3A_112 = arith.constant 0 : i32
      %dma_wait3A_113 = tpu.memref_slice %arg9[%mul3A_67, %dma_wait3A_112] : memref<125x80xi32, #tpu.memory_space<vmem>> -> memref<1x80xi32, #tpu.memory_space<vmem>>
      %dma_wait3A_114 = tpu.memref_squeeze %dma_wait3A_113 : memref<1x80xi32, #tpu.memory_space<vmem>> -> memref<80xi32, #tpu.memory_space<vmem>>
      %dma_wait3A_115 = arith.constant 0 : i32
      %dma_wait3A_116 = arith.constant 0 : i32
      %dma_wait3A_117 = tpu.memref_slice %arg7[%dma_wait3A_115, %dma_wait3A_116] : memref<10240x128xf32, #tpu.memory_space<vmem_shared>> -> memref<10240x128xf32, #tpu.memory_space<vmem_shared>>
      tpu.wait_indirect_dma semaphore(%arg12 : memref<!tpu.dma_semaphore, #tpu.memory_space<semaphore_mem>>) src(%dma_wait3A_111 : memref<80x128xf32, #tpu.memory_space<vmem>>) dst(%dma_wait3A_117 : memref<10240x128xf32, #tpu.memory_space<vmem_shared>>)
      %dma_wait3A_118 = arith.constant 1 : i32
      %dma_wait3A_119 = arith.constant 0 : i32
      %dma_wait3A_120 = arith.constant 0 : i32
      %dma_wait3A_121 = tpu.memref_slice %arg10[%dma_wait3A_118, %dma_wait3A_119, %dma_wait3A_120] : memref<2x80x128xf32, #tpu.memory_space<vmem>> -> memref<1x80x128xf32, #tpu.memory_space<vmem>>
      %dma_wait3A_122 = tpu.memref_squeeze %dma_wait3A_121 : memref<1x80x128xf32, #tpu.memory_space<vmem>> -> memref<80x128xf32, #tpu.memory_space<vmem>>
      %dma_wait3A_123 = arith.constant 0 : i32
      %dma_wait3A_124 = arith.constant 0 : i32
      %dma_wait3A_125 = tpu.memref_slice %arg2[%dma_wait3A_123, %dma_wait3A_124] : memref<10240x128xf32, #tpu.memory_space<hbm>> -> memref<80x128xf32, #tpu.memory_space<hbm>>
      %dma_wait3A_126 = arith.constant 0 : i32
      %dma_wait3A_127 = arith.constant 0 : i32
      %dma_wait3A_128 = tpu.memref_slice %arg10[%dma_wait3A_118, %dma_wait3A_126, %dma_wait3A_127] : memref<2x80x128xf32, #tpu.memory_space<vmem>> -> memref<1x80x128xf32, #tpu.memory_space<vmem>>
      %dma_wait3A_129 = tpu.memref_squeeze %dma_wait3A_128 : memref<1x80x128xf32, #tpu.memory_space<vmem>> -> memref<80x128xf32, #tpu.memory_space<vmem>>
      %dma_wait3A_130 = arith.constant 0 : i32
      %dma_wait3A_131 = arith.constant 0 : i32
      %dma_wait3A_132 = tpu.memref_slice %arg2[%dma_wait3A_130, %dma_wait3A_131] : memref<10240x128xf32, #tpu.memory_space<hbm>> -> memref<80x128xf32, #tpu.memory_space<hbm>>
      tpu.wait_dma2 semaphore(%arg11 : memref<!tpu.dma_semaphore, #tpu.memory_space<semaphore_mem>>) src(%dma_wait3A_132 : memref<80x128xf32, #tpu.memory_space<hbm>>) dst(%dma_wait3A_129 : memref<80x128xf32, #tpu.memory_space<vmem>>)
      %add3A_133 = arith.constant 2 : i32
      %add3A_134 = arith.addi %mul3A_67, %add3A_133 : i32
      %lt3A = arith.constant 125 : i32
      %lt3A_135 = arith.cmpi slt, %add3A_134, %lt3A : i32
      %convert_element_type3A = arith.extui %lt3A_135 : i1 to i32
      %cond3A = arith.constant 0 : i32
      %cond3A_136 = arith.cmpi ne, %convert_element_type3A, %cond3A : i32
      scf.if %cond3A_136 {
        %add3A_161 = arith.constant 2 : i32
        %add3A_162 = arith.addi %mul3A_67, %add3A_161 : i32
        %mul3A_163 = arith.constant 80 : i32
        %mul3A_164 = arith.muli %add3A_162, %mul3A_163 : i32
        %dma_start3A_165 = arith.constant 0 : i32
        %dma_start3A_166 = arith.constant 0 : i32
        %dma_start3A_167 = arith.constant 0 : i32
        %dma_start3A_168 = tpu.memref_slice %arg10[%dma_start3A_165, %dma_start3A_166, %dma_start3A_167] : memref<2x80x128xf32, #tpu.memory_space<vmem>> -> memref<1x80x128xf32, #tpu.memory_space<vmem>>
        %dma_start3A_169 = tpu.memref_squeeze %dma_start3A_168 : memref<1x80x128xf32, #tpu.memory_space<vmem>> -> memref<80x128xf32, #tpu.memory_space<vmem>>
        %dma_start3A_170 = tpu.memref_slice %arg8[%mul3A_164] : memref<10000xi32, #tpu.memory_space<vmem>> -> memref<80xi32, #tpu.memory_space<vmem>>
        %dma_start3A_171 = arith.constant 0 : i32
        %dma_start3A_172 = arith.constant 0 : i32
        %dma_start3A_173 = tpu.memref_slice %arg2[%dma_start3A_171, %dma_start3A_172] : memref<10240x128xf32, #tpu.memory_space<hbm>> -> memref<10240x128xf32, #tpu.memory_space<hbm>>
        tpu.enqueue_indirect_dma source(%dma_start3A_173 : memref<10240x128xf32, #tpu.memory_space<hbm>>) target(%dma_start3A_169 : memref<80x128xf32, #tpu.memory_space<vmem>>) offsets(%dma_start3A_170 : memref<80xi32, #tpu.memory_space<vmem>>) semaphore(%arg11 : memref<!tpu.dma_semaphore, #tpu.memory_space<semaphore_mem>>)
      } else {
      }
      %add3A_137 = arith.constant 1 : i32
      %add3A_138 = arith.addi %mul3A_67, %add3A_137 : i32
      %dma_start3A_139 = arith.constant 1 : i32
      %dma_start3A_140 = arith.constant 0 : i32
      %dma_start3A_141 = arith.constant 0 : i32
      %dma_start3A_142 = tpu.memref_slice %arg10[%dma_start3A_139, %dma_start3A_140, %dma_start3A_141] : memref<2x80x128xf32, #tpu.memory_space<vmem>> -> memref<1x80x128xf32, #tpu.memory_space<vmem>>
      %dma_start3A_143 = tpu.memref_squeeze %dma_start3A_142 : memref<1x80x128xf32, #tpu.memory_space<vmem>> -> memref<80x128xf32, #tpu.memory_space<vmem>>
      %dma_start3A_144 = arith.constant 0 : i32
      %dma_start3A_145 = tpu.memref_slice %arg9[%add3A_138, %dma_start3A_144] : memref<125x80xi32, #tpu.memory_space<vmem>> -> memref<1x80xi32, #tpu.memory_space<vmem>>
      %dma_start3A_146 = tpu.memref_squeeze %dma_start3A_145 : memref<1x80xi32, #tpu.memory_space<vmem>> -> memref<80xi32, #tpu.memory_space<vmem>>
      %dma_start3A_147 = arith.constant 0 : i32
      %dma_start3A_148 = arith.constant 0 : i32
      %dma_start3A_149 = tpu.memref_slice %arg7[%dma_start3A_147, %dma_start3A_148] : memref<10240x128xf32, #tpu.memory_space<vmem_shared>> -> memref<10240x128xf32, #tpu.memory_space<vmem_shared>>
      tpu.enqueue_indirect_dma source(%dma_start3A_143 : memref<80x128xf32, #tpu.memory_space<vmem>>) target(%dma_start3A_149 : memref<10240x128xf32, #tpu.memory_space<vmem_shared>>) offsets(%dma_start3A_146 : memref<80xi32, #tpu.memory_space<vmem>>) semaphore(%arg12 : memref<!tpu.dma_semaphore, #tpu.memory_space<semaphore_mem>>) {add = true}
      %dma_wait3A_150 = arith.constant 1 : i32
      %dma_wait3A_151 = arith.constant 0 : i32
      %dma_wait3A_152 = arith.constant 0 : i32
      %dma_wait3A_153 = tpu.memref_slice %arg10[%dma_wait3A_150, %dma_wait3A_151, %dma_wait3A_152] : memref<2x80x128xf32, #tpu.memory_space<vmem>> -> memref<1x80x128xf32, #tpu.memory_space<vmem>>
      %dma_wait3A_154 = tpu.memref_squeeze %dma_wait3A_153 : memref<1x80x128xf32, #tpu.memory_space<vmem>> -> memref<80x128xf32, #tpu.memory_space<vmem>>
      %dma_wait3A_155 = arith.constant 0 : i32
      %dma_wait3A_156 = tpu.memref_slice %arg9[%add3A_138, %dma_wait3A_155] : memref<125x80xi32, #tpu.memory_space<vmem>> -> memref<1x80xi32, #tpu.memory_space<vmem>>
      %dma_wait3A_157 = tpu.memref_squeeze %dma_wait3A_156 : memref<1x80xi32, #tpu.memory_space<vmem>> -> memref<80xi32, #tpu.memory_space<vmem>>
      %dma_wait3A_158 = arith.constant 0 : i32
      %dma_wait3A_159 = arith.constant 0 : i32
      %dma_wait3A_160 = tpu.memref_slice %arg7[%dma_wait3A_158, %dma_wait3A_159] : memref<10240x128xf32, #tpu.memory_space<vmem_shared>> -> memref<10240x128xf32, #tpu.memory_space<vmem_shared>>
      tpu.wait_indirect_dma semaphore(%arg12 : memref<!tpu.dma_semaphore, #tpu.memory_space<semaphore_mem>>) src(%dma_wait3A_154 : memref<80x128xf32, #tpu.memory_space<vmem>>) dst(%dma_wait3A_160 : memref<10240x128xf32, #tpu.memory_space<vmem_shared>>)
    }
    %scan3A_18 = arith.constant 62 : i32
    %dma_wait3A = arith.constant 0 : i32
    %dma_wait3A_19 = arith.constant 0 : i32
    %dma_wait3A_20 = arith.constant 0 : i32
    %dma_wait3A_21 = tpu.memref_slice %arg10[%dma_wait3A, %dma_wait3A_19, %dma_wait3A_20] : memref<2x80x128xf32, #tpu.memory_space<vmem>> -> memref<1x80x128xf32, #tpu.memory_space<vmem>>
    %dma_wait3A_22 = tpu.memref_squeeze %dma_wait3A_21 : memref<1x80x128xf32, #tpu.memory_space<vmem>> -> memref<80x128xf32, #tpu.memory_space<vmem>>
    %dma_wait3A_23 = arith.constant 0 : i32
    %dma_wait3A_24 = arith.constant 0 : i32
    %dma_wait3A_25 = tpu.memref_slice %arg2[%dma_wait3A_23, %dma_wait3A_24] : memref<10240x128xf32, #tpu.memory_space<hbm>> -> memref<80x128xf32, #tpu.memory_space<hbm>>
    %dma_wait3A_26 = arith.constant 0 : i32
    %dma_wait3A_27 = arith.constant 0 : i32
    %dma_wait3A_28 = tpu.memref_slice %arg10[%dma_wait3A, %dma_wait3A_26, %dma_wait3A_27] : memref<2x80x128xf32, #tpu.memory_space<vmem>> -> memref<1x80x128xf32, #tpu.memory_space<vmem>>
    %dma_wait3A_29 = tpu.memref_squeeze %dma_wait3A_28 : memref<1x80x128xf32, #tpu.memory_space<vmem>> -> memref<80x128xf32, #tpu.memory_space<vmem>>
    %dma_wait3A_30 = arith.constant 0 : i32
    %dma_wait3A_31 = arith.constant 0 : i32
    %dma_wait3A_32 = tpu.memref_slice %arg2[%dma_wait3A_30, %dma_wait3A_31] : memref<10240x128xf32, #tpu.memory_space<hbm>> -> memref<80x128xf32, #tpu.memory_space<hbm>>
    tpu.wait_dma2 semaphore(%arg11 : memref<!tpu.dma_semaphore, #tpu.memory_space<semaphore_mem>>) src(%dma_wait3A_32 : memref<80x128xf32, #tpu.memory_space<hbm>>) dst(%dma_wait3A_29 : memref<80x128xf32, #tpu.memory_space<vmem>>)
    %dma_start3A_33 = arith.constant 0 : i32
    %dma_start3A_34 = arith.constant 124 : i32
    %dma_start3A_35 = arith.constant 0 : i32
    %dma_start3A_36 = arith.constant 0 : i32
    %dma_start3A_37 = tpu.memref_slice %arg10[%dma_start3A_33, %dma_start3A_35, %dma_start3A_36] : memref<2x80x128xf32, #tpu.memory_space<vmem>> -> memref<1x80x128xf32, #tpu.memory_space<vmem>>
    %dma_start3A_38 = tpu.memref_squeeze %dma_start3A_37 : memref<1x80x128xf32, #tpu.memory_space<vmem>> -> memref<80x128xf32, #tpu.memory_space<vmem>>
    %dma_start3A_39 = arith.constant 0 : i32
    %dma_start3A_40 = tpu.memref_slice %arg9[%dma_start3A_34, %dma_start3A_39] : memref<125x80xi32, #tpu.memory_space<vmem>> -> memref<1x80xi32, #tpu.memory_space<vmem>>
    %dma_start3A_41 = tpu.memref_squeeze %dma_start3A_40 : memref<1x80xi32, #tpu.memory_space<vmem>> -> memref<80xi32, #tpu.memory_space<vmem>>
    %dma_start3A_42 = arith.constant 0 : i32
    %dma_start3A_43 = arith.constant 0 : i32
    %dma_start3A_44 = tpu.memref_slice %arg7[%dma_start3A_42, %dma_start3A_43] : memref<10240x128xf32, #tpu.memory_space<vmem_shared>> -> memref<10240x128xf32, #tpu.memory_space<vmem_shared>>
    tpu.enqueue_indirect_dma source(%dma_start3A_38 : memref<80x128xf32, #tpu.memory_space<vmem>>) target(%dma_start3A_44 : memref<10240x128xf32, #tpu.memory_space<vmem_shared>>) offsets(%dma_start3A_41 : memref<80xi32, #tpu.memory_space<vmem>>) semaphore(%arg12 : memref<!tpu.dma_semaphore, #tpu.memory_space<semaphore_mem>>) {add = true}
    %dma_wait3A_45 = arith.constant 0 : i32
    %dma_wait3A_46 = arith.constant 124 : i32
    %dma_wait3A_47 = arith.constant 0 : i32
    %dma_wait3A_48 = arith.constant 0 : i32
    %dma_wait3A_49 = tpu.memref_slice %arg10[%dma_wait3A_45, %dma_wait3A_47, %dma_wait3A_48] : memref<2x80x128xf32, #tpu.memory_space<vmem>> -> memref<1x80x128xf32, #tpu.memory_space<vmem>>
    %dma_wait3A_50 = tpu.memref_squeeze %dma_wait3A_49 : memref<1x80x128xf32, #tpu.memory_space<vmem>> -> memref<80x128xf32, #tpu.memory_space<vmem>>
    %dma_wait3A_51 = arith.constant 0 : i32
    %dma_wait3A_52 = tpu.memref_slice %arg9[%dma_wait3A_46, %dma_wait3A_51] : memref<125x80xi32, #tpu.memory_space<vmem>> -> memref<1x80xi32, #tpu.memory_space<vmem>>
    %dma_wait3A_53 = tpu.memref_squeeze %dma_wait3A_52 : memref<1x80xi32, #tpu.memory_space<vmem>> -> memref<80xi32, #tpu.memory_space<vmem>>
    %dma_wait3A_54 = arith.constant 0 : i32
    %dma_wait3A_55 = arith.constant 0 : i32
    %dma_wait3A_56 = tpu.memref_slice %arg7[%dma_wait3A_54, %dma_wait3A_55] : memref<10240x128xf32, #tpu.memory_space<vmem_shared>> -> memref<10240x128xf32, #tpu.memory_space<vmem_shared>>
    tpu.wait_indirect_dma semaphore(%arg12 : memref<!tpu.dma_semaphore, #tpu.memory_space<semaphore_mem>>) src(%dma_wait3A_50 : memref<80x128xf32, #tpu.memory_space<vmem>>) dst(%dma_wait3A_56 : memref<10240x128xf32, #tpu.memory_space<vmem_shared>>)
    %barrier3A_57 = arith.constant 0 : index
    tpu.barrier barrier_id(%barrier3A_57)
    %mul3A_58 = arith.constant 640 : i32
    %mul3A_59 = arith.muli %arg1, %mul3A_58 : i32
    %mul3A_60 = arith.constant 10240 : i32
    %mul3A_61 = arith.muli %arg0, %mul3A_60 : i32
    %mul3A_62 = arith.constant 640 : i32
    %mul3A_63 = arith.muli %arg1, %mul3A_62 : i32
    %add3A_64 = arith.addi %mul3A_61, %mul3A_63 : i32
    "tpu.region"() ({
      %run_scoped3A = tpu.sem_alloc : memref<!tpu.dma_semaphore, #tpu.memory_space<semaphore_mem>>
      %dma_start3A_65 = arith.constant 0 : i32
      %dma_start3A_66 = tpu.memref_slice %arg6[%add3A_64, %dma_start3A_65] : memref<20480x128xf32, #tpu.memory_space<hbm>> -> memref<640x128xf32, #tpu.memory_space<hbm>>
      %dma_start3A_67 = arith.constant 0 : i32
      %dma_start3A_68 = tpu.memref_slice %arg7[%mul3A_59, %dma_start3A_67] : memref<10240x128xf32, #tpu.memory_space<vmem_shared>> -> memref<640x128xf32, #tpu.memory_space<vmem_shared>>
      tpu.enqueue_dma source(%dma_start3A_68 : memref<640x128xf32, #tpu.memory_space<vmem_shared>>) target(%dma_start3A_66 : memref<640x128xf32, #tpu.memory_space<hbm>>) target_semaphore(%run_scoped3A : memref<!tpu.dma_semaphore, #tpu.memory_space<semaphore_mem>>)
      %dma_wait3A_69 = arith.constant 0 : i32
      %dma_wait3A_70 = tpu.memref_slice %arg6[%add3A_64, %dma_wait3A_69] : memref<20480x128xf32, #tpu.memory_space<hbm>> -> memref<640x128xf32, #tpu.memory_space<hbm>>
      %dma_wait3A_71 = arith.constant 0 : i32
      %dma_wait3A_72 = tpu.memref_slice %arg7[%mul3A_59, %dma_wait3A_71] : memref<10240x128xf32, #tpu.memory_space<vmem_shared>> -> memref<640x128xf32, #tpu.memory_space<vmem_shared>>
      tpu.wait_dma2 semaphore(%run_scoped3A : memref<!tpu.dma_semaphore, #tpu.memory_space<semaphore_mem>>) src(%dma_wait3A_72 : memref<640x128xf32, #tpu.memory_space<vmem_shared>>) dst(%dma_wait3A_70 : memref<640x128xf32, #tpu.memory_space<hbm>>)
      tpu.yield
    }) : () -> ()
    return
  }
}

module attributes {stable_mosaic.version = 14 : i64} {
  func.func @body(%arg0: i32, %arg1: memref<2x5120x128xf32, #tpu.memory_space<vmem>>, %arg2: memref<2x5120xf32, #tpu.memory_space<vmem>>, %arg3: memref<5120x128xf32, #tpu.memory_space<vmem>>, %arg4: memref<128x128xf32, #tpu.memory_space<vmem>>, %arg5: memref<128x128xf32, #tpu.memory_space<vmem>>, %arg6: memref<1x128xf32, #tpu.memory_space<vmem>>, %arg7: memref<5120x128xf32, #tpu.memory_space<vmem>>) attributes {dimension_semantics = [#tpu.dimension_semantics<arbitrary>], iteration_bounds = array<i64: 2>, scalar_prefetch = 0 : i64, scratch_operands = 0 : i64, tpu.core_type = #tpu.core_type<tc>, window_params = [{transform_indices = @transform_0, window_bounds = array<i64: 2, 5120, 128>}, {transform_indices = @transform_1, window_bounds = array<i64: 2, 5120>}, {transform_indices = @transform_2, window_bounds = array<i64: 5120, 128>}, {pipeline_mode = #tpu.pipeline_mode<synchronous>, transform_indices = @transform_3, window_bounds = array<i64: 128, 128>}, {pipeline_mode = #tpu.pipeline_mode<synchronous>, transform_indices = @transform_4, window_bounds = array<i64: 128, 128>}, {pipeline_mode = #tpu.pipeline_mode<synchronous>, transform_indices = @transform_5, window_bounds = array<i64: 1, 128>}, {transform_indices = @transform_6, window_bounds = array<i64: 5120, 128>}]} {
    %get3A = arith.constant 0 : index
    %get3A_0 = arith.constant 0 : index
    %get3A_1 = arith.constant 0 : index
    %get3A_2 = vector.load %arg1[%get3A, %get3A_0, %get3A_1] : memref<2x5120x128xf32, #tpu.memory_space<vmem>>, vector<1x5120x128xf32>
    %get3A_3 = vector.shape_cast %get3A_2 : vector<1x5120x128xf32> to vector<5120x128xf32>
    %get3A_4 = arith.constant 1 : index
    %get3A_5 = arith.constant 0 : index
    %get3A_6 = arith.constant 0 : index
    %get3A_7 = vector.load %arg1[%get3A_4, %get3A_5, %get3A_6] : memref<2x5120x128xf32, #tpu.memory_space<vmem>>, vector<1x5120x128xf32>
    %get3A_8 = vector.shape_cast %get3A_7 : vector<1x5120x128xf32> to vector<5120x128xf32>
    %add3A = arith.addf %get3A_3, %get3A_8 : vector<5120x128xf32>
    %get3A_9 = arith.constant 0 : index
    %get3A_10 = arith.constant 0 : index
    %get3A_11 = vector.load %arg2[%get3A_9, %get3A_10] : memref<2x5120xf32, #tpu.memory_space<vmem>>, vector<1x5120xf32>
    %get3A_12 = vector.shape_cast %get3A_11 : vector<1x5120xf32> to vector<5120xf32>
    %get3A_13 = arith.constant 1 : index
    %get3A_14 = arith.constant 0 : index
    %get3A_15 = vector.load %arg2[%get3A_13, %get3A_14] : memref<2x5120xf32, #tpu.memory_space<vmem>>, vector<1x5120xf32>
    %get3A_16 = vector.shape_cast %get3A_15 : vector<1x5120xf32> to vector<5120xf32>
    %add3A_17 = arith.addf %get3A_12, %get3A_16 : vector<5120xf32>
    %max3A = arith.constant 1.000000e+00 : f32
    %max3A_18 = vector.broadcast %max3A : f32 to vector<5120xf32>
    %max3A_19 = arith.maximumf %add3A_17, %max3A_18 : vector<5120xf32>
    %div3A = arith.constant 1.000000e+00 : f32
    %div3A_20 = vector.broadcast %div3A : f32 to vector<5120xf32>
    %div3A_21 = arith.divf %div3A_20, %max3A_19 : vector<5120xf32>
    %broadcast_in_dim3A = vector.shape_cast %div3A_21 : vector<5120xf32> to vector<5120x1xf32>
    %mul3A = vector.broadcast %broadcast_in_dim3A : vector<5120x1xf32> to vector<5120x128xf32>
    %mul3A_22 = arith.mulf %add3A, %mul3A : vector<5120x128xf32>
    %get3A_23 = arith.constant 0 : index
    %get3A_24 = arith.constant 0 : index
    %get3A_25 = vector.load %arg4[%get3A_23, %get3A_24] : memref<128x128xf32, #tpu.memory_space<vmem>>, vector<128x128xf32>
    %dot_general3A = arith.constant dense<0.000000e+00> : vector<5120x128xf32>
    %dot_general3A_26 = tpu.matmul %mul3A_22, %get3A_25, %dot_general3A {dimension_numbers = #tpu.dot_dimension_numbers<[1], [0], [0], [1], [0, 0, 1, 1], [], []>, transpose_lhs_hint = false} : vector<5120x128xf32>, vector<128x128xf32>, vector<5120x128xf32> -> vector<5120x128xf32>
    %get3A_27 = arith.constant 0 : index
    %get3A_28 = arith.constant 0 : index
    %get3A_29 = vector.load %arg3[%get3A_27, %get3A_28] : memref<5120x128xf32, #tpu.memory_space<vmem>>, vector<5120x128xf32>
    %get3A_30 = arith.constant 0 : index
    %get3A_31 = arith.constant 0 : index
    %get3A_32 = vector.load %arg5[%get3A_30, %get3A_31] : memref<128x128xf32, #tpu.memory_space<vmem>>, vector<128x128xf32>
    %dot_general3A_33 = arith.constant dense<0.000000e+00> : vector<5120x128xf32>
    %dot_general3A_34 = tpu.matmul %get3A_29, %get3A_32, %dot_general3A_33 {dimension_numbers = #tpu.dot_dimension_numbers<[1], [0], [0], [1], [0, 0, 1, 1], [], []>, transpose_lhs_hint = false} : vector<5120x128xf32>, vector<128x128xf32>, vector<5120x128xf32> -> vector<5120x128xf32>
    %add3A_35 = arith.addf %dot_general3A_26, %dot_general3A_34 : vector<5120x128xf32>
    %get3A_36 = arith.constant 0 : index
    %get3A_37 = arith.constant 0 : index
    %get3A_38 = vector.load %arg6[%get3A_36, %get3A_37] : memref<1x128xf32, #tpu.memory_space<vmem>>, vector<1x128xf32>
    %add3A_39 = vector.broadcast %get3A_38 : vector<1x128xf32> to vector<5120x128xf32>
    %add3A_40 = arith.addf %add3A_35, %add3A_39 : vector<5120x128xf32>
    %max3A_41 = arith.constant 0.000000e+00 : f32
    %max3A_42 = vector.broadcast %max3A_41 : f32 to vector<5120x128xf32>
    %max3A_43 = arith.maximumf %add3A_40, %max3A_42 : vector<5120x128xf32>
    %swap3A = arith.constant 0 : index
    %swap3A_44 = arith.constant 0 : index
    %swap3A_45 = vector.load %arg7[%swap3A, %swap3A_44] : memref<5120x128xf32, #tpu.memory_space<vmem>>, vector<5120x128xf32>
    tpu.vector_store %arg7[%swap3A, %swap3A_44], %max3A_43 {strides = array<i32>} : memref<5120x128xf32, #tpu.memory_space<vmem>>, vector<5120x128xf32>,
    return
  }
  func.func @transform_0(%arg0: i32) -> (i32, i32, i32) {
    %c0_i32 = arith.constant 0 : i32
    %c0_i32_0 = arith.constant 0 : i32
    %c0_i32_1 = arith.constant 0 : i32
    return %c0_i32, %arg0, %c0_i32_0 : i32, i32, i32
  }
  func.func @transform_1(%arg0: i32) -> (i32, i32) {
    %c0_i32 = arith.constant 0 : i32
    %c0_i32_0 = arith.constant 0 : i32
    return %c0_i32, %arg0 : i32, i32
  }
  func.func @transform_2(%arg0: i32) -> (i32, i32) {
    %c0_i32 = arith.constant 0 : i32
    %c0_i32_0 = arith.constant 0 : i32
    return %arg0, %c0_i32 : i32, i32
  }
  func.func @transform_3(%arg0: i32) -> (i32, i32) {
    %c0_i32 = arith.constant 0 : i32
    %c0_i32_0 = arith.constant 0 : i32
    %c0_i32_1 = arith.constant 0 : i32
    return %c0_i32, %c0_i32_0 : i32, i32
  }
  func.func @transform_4(%arg0: i32) -> (i32, i32) {
    %c0_i32 = arith.constant 0 : i32
    %c0_i32_0 = arith.constant 0 : i32
    %c0_i32_1 = arith.constant 0 : i32
    return %c0_i32, %c0_i32_0 : i32, i32
  }
  func.func @transform_5(%arg0: i32) -> (i32, i32) {
    %c0_i32 = arith.constant 0 : i32
    %c0_i32_0 = arith.constant 0 : i32
    %c0_i32_1 = arith.constant 0 : i32
    return %c0_i32, %c0_i32_0 : i32, i32
  }
  func.func @transform_6(%arg0: i32) -> (i32, i32) {
    %c0_i32 = arith.constant 0 : i32
    %c0_i32_0 = arith.constant 0 : i32
    return %arg0, %c0_i32 : i32, i32
  }
}

module attributes {stable_mosaic.version = 14 : i64} {
  func.func @body(%arg0: i32, %arg1: memref<2x5120x128xf32, #tpu.memory_space<vmem>>, %arg2: memref<2x5120xf32, #tpu.memory_space<vmem>>, %arg3: memref<5120x128xf32, #tpu.memory_space<vmem>>, %arg4: memref<128x128xf32, #tpu.memory_space<vmem>>, %arg5: memref<128x128xf32, #tpu.memory_space<vmem>>, %arg6: memref<1x128xf32, #tpu.memory_space<vmem>>, %arg7: memref<5120x128xf32, #tpu.memory_space<vmem>>) attributes {dimension_semantics = [#tpu.dimension_semantics<arbitrary>], iteration_bounds = array<i64: 2>, scalar_prefetch = 0 : i64, scratch_operands = 0 : i64, tpu.core_type = #tpu.core_type<tc>, window_params = [{transform_indices = @transform_0, window_bounds = array<i64: 2, 5120, 128>}, {transform_indices = @transform_1, window_bounds = array<i64: 2, 5120>}, {transform_indices = @transform_2, window_bounds = array<i64: 5120, 128>}, {pipeline_mode = #tpu.pipeline_mode<synchronous>, transform_indices = @transform_3, window_bounds = array<i64: 128, 128>}, {pipeline_mode = #tpu.pipeline_mode<synchronous>, transform_indices = @transform_4, window_bounds = array<i64: 128, 128>}, {pipeline_mode = #tpu.pipeline_mode<synchronous>, transform_indices = @transform_5, window_bounds = array<i64: 1, 128>}, {transform_indices = @transform_6, window_bounds = array<i64: 5120, 128>}]} {
    %get3A = arith.constant 0 : index
    %get3A_0 = arith.constant 0 : index
    %get3A_1 = arith.constant 0 : index
    %get3A_2 = vector.load %arg1[%get3A, %get3A_0, %get3A_1] : memref<2x5120x128xf32, #tpu.memory_space<vmem>>, vector<1x5120x128xf32>
    %get3A_3 = vector.shape_cast %get3A_2 : vector<1x5120x128xf32> to vector<5120x128xf32>
    %get3A_4 = arith.constant 1 : index
    %get3A_5 = arith.constant 0 : index
    %get3A_6 = arith.constant 0 : index
    %get3A_7 = vector.load %arg1[%get3A_4, %get3A_5, %get3A_6] : memref<2x5120x128xf32, #tpu.memory_space<vmem>>, vector<1x5120x128xf32>
    %get3A_8 = vector.shape_cast %get3A_7 : vector<1x5120x128xf32> to vector<5120x128xf32>
    %add3A = arith.addf %get3A_3, %get3A_8 : vector<5120x128xf32>
    %get3A_9 = arith.constant 0 : index
    %get3A_10 = arith.constant 0 : index
    %get3A_11 = vector.load %arg2[%get3A_9, %get3A_10] : memref<2x5120xf32, #tpu.memory_space<vmem>>, vector<1x5120xf32>
    %get3A_12 = vector.shape_cast %get3A_11 : vector<1x5120xf32> to vector<5120xf32>
    %get3A_13 = arith.constant 1 : index
    %get3A_14 = arith.constant 0 : index
    %get3A_15 = vector.load %arg2[%get3A_13, %get3A_14] : memref<2x5120xf32, #tpu.memory_space<vmem>>, vector<1x5120xf32>
    %get3A_16 = vector.shape_cast %get3A_15 : vector<1x5120xf32> to vector<5120xf32>
    %add3A_17 = arith.addf %get3A_12, %get3A_16 : vector<5120xf32>
    %max3A = arith.constant 1.000000e+00 : f32
    %max3A_18 = vector.broadcast %max3A : f32 to vector<5120xf32>
    %max3A_19 = arith.maximumf %add3A_17, %max3A_18 : vector<5120xf32>
    %div3A = arith.constant 1.000000e+00 : f32
    %div3A_20 = vector.broadcast %div3A : f32 to vector<5120xf32>
    %div3A_21 = arith.divf %div3A_20, %max3A_19 : vector<5120xf32>
    %broadcast_in_dim3A = vector.shape_cast %div3A_21 : vector<5120xf32> to vector<5120x1xf32>
    %mul3A = vector.broadcast %broadcast_in_dim3A : vector<5120x1xf32> to vector<5120x128xf32>
    %mul3A_22 = arith.mulf %add3A, %mul3A : vector<5120x128xf32>
    %get3A_23 = arith.constant 0 : index
    %get3A_24 = arith.constant 0 : index
    %get3A_25 = vector.load %arg4[%get3A_23, %get3A_24] : memref<128x128xf32, #tpu.memory_space<vmem>>, vector<128x128xf32>
    %dot_general3A = arith.constant dense<0.000000e+00> : vector<5120x128xf32>
    %dot_general3A_26 = tpu.matmul %mul3A_22, %get3A_25, %dot_general3A {dimension_numbers = #tpu.dot_dimension_numbers<[1], [0], [0], [1], [0, 0, 1, 1], [], []>, transpose_lhs_hint = false} : vector<5120x128xf32>, vector<128x128xf32>, vector<5120x128xf32> -> vector<5120x128xf32>
    %get3A_27 = arith.constant 0 : index
    %get3A_28 = arith.constant 0 : index
    %get3A_29 = vector.load %arg3[%get3A_27, %get3A_28] : memref<5120x128xf32, #tpu.memory_space<vmem>>, vector<5120x128xf32>
    %get3A_30 = arith.constant 0 : index
    %get3A_31 = arith.constant 0 : index
    %get3A_32 = vector.load %arg5[%get3A_30, %get3A_31] : memref<128x128xf32, #tpu.memory_space<vmem>>, vector<128x128xf32>
    %dot_general3A_33 = arith.constant dense<0.000000e+00> : vector<5120x128xf32>
    %dot_general3A_34 = tpu.matmul %get3A_29, %get3A_32, %dot_general3A_33 {dimension_numbers = #tpu.dot_dimension_numbers<[1], [0], [0], [1], [0, 0, 1, 1], [], []>, transpose_lhs_hint = false} : vector<5120x128xf32>, vector<128x128xf32>, vector<5120x128xf32> -> vector<5120x128xf32>
    %add3A_35 = arith.addf %dot_general3A_26, %dot_general3A_34 : vector<5120x128xf32>
    %get3A_36 = arith.constant 0 : index
    %get3A_37 = arith.constant 0 : index
    %get3A_38 = vector.load %arg6[%get3A_36, %get3A_37] : memref<1x128xf32, #tpu.memory_space<vmem>>, vector<1x128xf32>
    %add3A_39 = vector.broadcast %get3A_38 : vector<1x128xf32> to vector<5120x128xf32>
    %add3A_40 = arith.addf %add3A_35, %add3A_39 : vector<5120x128xf32>
    %swap3A = arith.constant 0 : index
    %swap3A_41 = arith.constant 0 : index
    %swap3A_42 = vector.load %arg7[%swap3A, %swap3A_41] : memref<5120x128xf32, #tpu.memory_space<vmem>>, vector<5120x128xf32>
    tpu.vector_store %arg7[%swap3A, %swap3A_41], %add3A_40 {strides = array<i32>} : memref<5120x128xf32, #tpu.memory_space<vmem>>, vector<5120x128xf32>,
    return
  }
  func.func @transform_0(%arg0: i32) -> (i32, i32, i32) {
    %c0_i32 = arith.constant 0 : i32
    %c0_i32_0 = arith.constant 0 : i32
    %c0_i32_1 = arith.constant 0 : i32
    return %c0_i32, %arg0, %c0_i32_0 : i32, i32, i32
  }
  func.func @transform_1(%arg0: i32) -> (i32, i32) {
    %c0_i32 = arith.constant 0 : i32
    %c0_i32_0 = arith.constant 0 : i32
    return %c0_i32, %arg0 : i32, i32
  }
  func.func @transform_2(%arg0: i32) -> (i32, i32) {
    %c0_i32 = arith.constant 0 : i32
    %c0_i32_0 = arith.constant 0 : i32
    return %arg0, %c0_i32 : i32, i32
  }
  func.func @transform_3(%arg0: i32) -> (i32, i32) {
    %c0_i32 = arith.constant 0 : i32
    %c0_i32_0 = arith.constant 0 : i32
    %c0_i32_1 = arith.constant 0 : i32
    return %c0_i32, %c0_i32_0 : i32, i32
  }
  func.func @transform_4(%arg0: i32) -> (i32, i32) {
    %c0_i32 = arith.constant 0 : i32
    %c0_i32_0 = arith.constant 0 : i32
    %c0_i32_1 = arith.constant 0 : i32
    return %c0_i32, %c0_i32_0 : i32, i32
  }
  func.func @transform_5(%arg0: i32) -> (i32, i32) {
    %c0_i32 = arith.constant 0 : i32
    %c0_i32_0 = arith.constant 0 : i32
    %c0_i32_1 = arith.constant 0 : i32
    return %c0_i32, %c0_i32_0 : i32, i32
  }
  func.func @transform_6(%arg0: i32) -> (i32, i32) {
    %c0_i32 = arith.constant 0 : i32
    %c0_i32_0 = arith.constant 0 : i32
    return %arg0, %c0_i32 : i32, i32
  }
}

</mosaic_0001>

<sc_bundles>
// kernel: kernel.6.cloned.1.call-start
scs
__scs_entry_jumppad:
0x0: {  	(pc) =	sbr.rel $0x88, $3  }
0x1: {  	(tag) =	ssettag $0x0;
	lr =	simm.s32 $0x1  }
0x2: {  	[smem:$0x3F99] =	sst lr;
	_ =	strace $0xD0000000  }
0x3: {  	_ = 	snop  }
0x4: {  	_ = 	snop  }
0x5: {  	_ = 	snop  }
0x6: {  	_ = 	snop  }
0x7: {  	_ = 	snop  }
__scs_overlays_trampoline_lowered:
0x8: {  	[smem:$0x3FA8] =	sst s0  }
0x9: {  	[smem:$0x3FA9] =	sst s1  }
0xa: {  	[smem:$0x3FAA] =	sst s2  }
0xb: {  	[smem:$0x3FAB] =	sst s3  }
0xc: {  	[smem:$0x3FAC] =	sst s4  }
0xd: {  	[smem:$0x3FAD] =	sst s5  }
0xe: {  	[smem:$0x3FAE] =	sst s6  }
0xf: {  	[smem:$0x3FAF] =	sst s7  }
0x10: {  	[smem:$0x3FB0] =	sst s8  }
0x11: {  	[smem:$0x3FB1] =	sst s9;
	s0 =	simm.s32 @!p0 $0x0  }
0x12: {  	s1 =	sld [smem:$0x3F97];
	s0 =	simm.s32 @p0 $0x1  }
0x13: {  	[smem:$0x3FB2] =	sst s0;
	s0 =	simm.s32 @!p1 $0x0  }
0x14: {  	s2 =	sld [smem:$0x3F96];
	s0 =	simm.s32 @p1 $0x1  }
0x15: {  	[smem:$0x3FB3] =	sst s0;
	s0 =	simm.s32 @!p2 $0x0  }
0x16: {  	s3 =	sld [smem:$0x3FDB];
	s0 =	simm.s32 @p2 $0x1  }
0x17: {  	s4 =	simm.s32 $0x1BF5;
	[smem:$0x3FB5] =	sst s0  }
0x18: {  	s0 =	sld [smem:$0x3F98];
	_ =	swait.ge [sflag:s4], $0x0  }
0x19: {  	s7 =	sld [smem:$0x3F99]  }
0x1a: {  	s8 =	sadd.s32 $0xFFFFE003, lr  }
0x1b: {  	s9 =	sadd.s32 $0xFFFFFEF7, lr;
	s5 =	simm.s32 $0xFFFFFFFF;
	p2 =	slt.u32 s8, $0xFFFFF086  }
0x1c: {  	p1 =	slt.u32 s9, $0xF7A;
	s5 =	simm.s32 @!p2 $0x0  }
0x1d: {  	s5 =	simm.s32 @p1 $0x1;
	p0 =	seq.s32 s7, s2  }
0x1e: {  	s7 =	smul.u32 @!p0 $0xF7A, s2;
	p2 =	seq.s32 @!p0 s5, $0x0  }
0x1f: {  	s9 =	smul.u32 $0xF7A, s1;
	s8 =	simm.s32 @!p0 $0x1BF5;
	p2 =	por !p2, p0  }
0x20: {  	[sflag:s8] =	ssyncset.s32 @!p0 $0xFFFFF086;
	s6 =	sadd.s32 @!p0 s3, s7;
	s7 =	simm.s32 @!p0 $0x108  }
0x21: {  	s3 =	sadd.s32 s3, s9;
	s6 =	sadd.s32 @!p0 $0x88, s6;
	s7 =	simm.s32 @p2 $0x1082  }
0x22: {  	[simem:s7], [sflag:s8] =	dma.local @!p0 [hbm:s6], $0xF7A  }
0x23: {  	s9 =	sor.u32 $0xD0000000, s2;
	s6 =	simm.s32 $0x108;
	_ =	swait.ge @!p0 [sflag:s8], $0x0  }
0x24: {  	s3 =	sadd.s32 $0x88, s3;
	s6 =	simm.s32 @!p1 $0x1082;
	[sflag:s4] =	ssyncset.s32 $0xFFFFF086  }
0x25: {  	[simem:s6], [sflag:s4] =	dma.local [hbm:s3], $0xF7A  }
0x26: {  	[smem:$0x3F99] =	sst s1;
	(tag) =	ssettag s2;
	_ =	strace s9  }
0x27: {  	s1 =	sld [smem:$0x3FA9]  }
0x28: {  	s2 =	sld [smem:$0x3FAA]  }
0x29: {  	s4 =	sld [smem:$0x3FAC]  }
0x2a: {  	p0 =	seq.s32 s5, $0x0;
	s5 =	sld [smem:$0x3FAD]  }
0x2b: {  	s6 =	sld [smem:$0x3FAE]  }
0x2c: {  	s7 =	sld [smem:$0x3FAF]  }
0x2d: {  	s3 =	simm.s32 $0x108;
	s8 =	sld [smem:$0x3FB0]  }
0x2e: {  	s3 =	simm.s32 @!p0 $0x1082;
	s9 =	sld [smem:$0x3FB1]  }
0x2f: {  	lr =	sadd.s32 s0, s3;
	s0 =	sld [smem:$0x3FA8]  }
0x30: {  	s3 =	sld [smem:$0x3FAB]  }
0x31: {  	[smem:$0x3FB4] =	sst s10  }
0x32: {  	s10 =	sld [smem:$0x3FB2];
	_ =	sdelay $0x3  }
0x33: {  	p0 =	seq.s32 s10, $0x1;
	s10 =	sld [smem:$0x3FB4];
	_ =	sdelay $0x3  }
0x34: {  	[smem:$0x3FB4] =	sst s10  }
0x35: {  	s10 =	sld [smem:$0x3FB3];
	_ =	sdelay $0x3  }
0x36: {  	p1 =	seq.s32 s10, $0x1;
	s10 =	sld [smem:$0x3FB4];
	_ =	sdelay $0x3  }
0x37: {  	[smem:$0x3FB4] =	sst s10  }
0x38: {  	s10 =	sld [smem:$0x3FB5]  }
0x39: {  	_ = 	snop;
	(pc) =	sbr.ind lr, $3  }
0x3a: {  	_ = 	snop  }
0x3b: {  	_ = 	snop  }
0x3c: {  	p2 =	seq.s32 s10, $0x1;
	s10 =	sld [smem:$0x3FB4]  }
0x3d: {  	_ =	shalt  }
0x3e: {  	_ =	shalt  }
0x3f: {  	_ =	shalt  }
0x40: {  	_ =	shalt  }
0x41: {  	_ =	shalt  }
0x42: {  	_ =	shalt  }
0x43: {  	_ =	shalt  }
0x44: {  	_ =	shalt  }
0x45: {  	_ =	shalt  }
0x46: {  	_ =	shalt  }
0x47: {  	_ =	shalt  }
0x48: {  	_ =	shalt  }
0x49: {  	_ =	shalt  }
0x4a: {  	_ =	shalt  }
0x4b: {  	_ =	shalt  }
0x4c: {  	_ =	shalt  }
0x4d: {  	_ =	shalt  }
0x4e: {  	_ =	shalt  }
0x4f: {  	_ =	shalt  }
0x50: {  	_ =	shalt  }
0x51: {  	_ =	shalt  }
0x52: {  	_ =	shalt  }
0x53: {  	_ =	shalt  }
0x54: {  	_ =	shalt  }
0x55: {  	_ =	shalt  }
0x56: {  	_ =	shalt  }
0x57: {  	_ =	shalt  }
0x58: {  	_ =	shalt  }
0x59: {  	_ =	shalt  }
0x5a: {  	_ =	shalt  }
0x5b: {  	_ =	shalt  }
0x5c: {  	_ =	shalt  }
0x5d: {  	_ =	shalt  }
0x5e: {  	_ =	shalt  }
0x5f: {  	_ =	shalt  }
0x60: {  	_ =	shalt  }
0x61: {  	_ =	shalt  }
0x62: {  	_ =	shalt  }
0x63: {  	_ =	shalt  }
0x64: {  	_ =	shalt  }
0x65: {  	_ =	shalt  }
0x66: {  	_ =	shalt  }
0x67: {  	_ =	shalt  }
0x68: {  	_ =	shalt  }
0x69: {  	_ =	shalt  }
0x6a: {  	_ =	shalt  }
0x6b: {  	_ =	shalt  }
0x6c: {  	_ =	shalt  }
0x6d: {  	_ =	shalt  }
0x6e: {  	_ =	shalt  }
0x6f: {  	_ =	shalt  }
0x70: {  	_ =	shalt  }
0x71: {  	_ =	shalt  }
0x72: {  	_ =	shalt  }
0x73: {  	_ =	shalt  }
0x74: {  	_ =	shalt  }
0x75: {  	_ =	shalt  }
0x76: {  	_ =	shalt  }
0x77: {  	_ =	shalt  }
0x78: {  	_ =	shalt  }
0x79: {  	_ =	shalt  }
0x7a: {  	_ =	shalt  }
0x7b: {  	_ =	shalt  }
0x7c: {  	_ =	shalt  }
0x7d: {  	_ =	shalt  }
0x7e: {  	_ =	shalt  }
0x7f: {  	_ =	shalt  }
0x80: {  	_ =	shalt  }
0x81: {  	_ =	shalt  }
0x82: {  	_ =	shalt  }
0x83: {  	_ =	shalt  }
0x84: {  	_ =	shalt  }
0x85: {  	_ =	shalt  }
0x86: {  	_ =	shalt  }
0x87: {  	_ =	shalt  }
.Lfunc_end0:
.L_simem_size_0:
called_computation_lowered:
.L_overlay_start_0:
0x88: {  	s2 =	sld [smem:$0x3FD9]  }
0x89: {  	s3 =	sld [smem:$0x3FFE];
	_ =	sdelay $0x1  }
0x8a: {  	s1 =	srdreg.scid  }
0x8b: {  	s0 =	sand.u32 $0x1, s1  }
0x8c: {  	s17 =	sshll.u32 s0, $0xA;
	s2 =	sadd.s32 s3, s2  }
0x8d: {  	s2 =	sadd.s32 s2, s17  }
0x8e: {  	[smem:$0x3FC0] =	sst s2  }
0x8f: {  	_ = 	snop  }
0x90: {  	s2 =	sld [smem:$0x3FD0];
	(tm) =	ssettm $0x1  }
0x91: {  	s18 =	sld [smem:$0x3FFB];
	_ =	sdelay $0x3  }
0x92: {  	_ =	strace s18  }
0x93: {  	s3 =	sld [smem:$0x3FFC];
	_ =	sdelay $0x3  }
0x94: {  	_ =	strace s3  }
0x95: {  	s3 =	sld [smem:$0x3FFD];
	_ =	sdelay $0x3  }
0x96: {  	_ =	strace s3  }
0x97: {  	_ =	strace $0x8FFFFFFF  }
0x98: {  	s19 =	sld [smem:$0x3FDB];
	_ =	sdelay $0x1  }
0x99: {  	s4 =	simm.s32 $_scs_section_size  }
0x9a: {  	s5 =	simm.s32 $_size__tile_overlayer_lowered;
	s6 =	simm.s32 $_tile_overlayer_lowered  }
0x9b: {  	s22 =	simm.s32 $0x1BFF;
	s21 =	sshll.u32 s6, $0x1;
	s3 =	sadd.s32 s4, s19  }
0x9c: {  	s7 =	simm.s32 $0x0;
	s20 =	sshll.u32 s5, $0x1;
	s5 =	sadd.s32 s21, s3  }
0x9d: {  	[timem:s7], [sflag:s22] =	dma.local [hbm:s5], s20  }
0x9e: {  	_ =	swait.ge [sflag:s22], s20  }
0x9f: {  	s4 =	ssub.s32 $0x0, s20;
	[sflag:s22] =	ssyncset.done $0x0  }
0xa0: {  	[sflag:s22] =	ssyncadd.s32 s4;
	_ =	sdelay $0x1  }
0xa1: {  	s23 =	simm.s32 $0x1B8B  }
0xa2: {  	_ =	swait.ge [sflag:s23], $0x1  }
0xa3: {  	[sflag:s23] =	ssyncset.done $0x0  }
0xa4: {  	s25 =	simm.s32 $0x1B8E;
	s24 =	sld [smem:$0x3FFE];
	[sflag:s23] =	ssyncadd.s32 $0xFFFFFFFF  }
0xa5: {  	s26 =	simm.s32 $execute0_lowered;
	[smem:$0x3FD2] =	sst s25  }
0xa6: {  	s5 =	sshll.u32 s26, $0x1;
	_ =	strace $0x80000046;
	[dreg:$0x1] =	wrdreg $0xFFFFFFFF  }
0xa7: {  	s28 =	simm.s32 $_size_execute0_lowered;
	s3 =	sadd.s32 s3, s5;
	[dreg:$0x0] =	wrdreg $0x0  }
0xa8: {  	s5 =	sshll.u32 s28, $0x1;
	[dreg:$0x2] =	wrdreg s3  }
0xa9: {  	[dreg:$0x3] =	wrdreg s5  }
0xaa: {  	[dreg:$0x4] =	wrdreg $0xC0  }
0xab: {  	_ =	task [dreg:s7], $0x5FFFF  }
0xac: {  	[dreg:$0x1] =	wrdreg $0xFFFFFFFF  }
0xad: {  	[dreg:$0x0] =	wrdreg $0x60  }
0xae: {  	[dreg:$0x2] =	wrdreg s24  }
0xaf: {  	[dreg:$0x3] =	wrdreg s2  }
0xb0: {  	[dreg:$0x4] =	wrdreg $0x0  }
0xb1: {  	[dreg:$0x5] =	wrdreg $0x140000  }
0xb2: {  	[dreg:$0x6] =	wrdreg $0x9  }
0xb3: {  	_ =	task.clear_ibuf [dreg:s7], $0x7FFFF;
	_ =	strace $0x90000046  }
0xb4: {  	s29 =	simm.s32 $0x9;
	_ =	strace $0x80000048  }
0xb5: {  	_ =	swait.ge [sflag:s29], $0x1  }
0xb6: {  	[sflag:s29] =	ssyncadd.s32 $0xFFFFFFFF  }
0xb7: {  	_ =	strace $0x90000048  }
0xb8: {  	_ =	sfence  }
0xb9: {  	s30 =	sld [smem:$0x0];
	_ =	sdelay $0x2  }
0xba: {  	s31 =	sshll.u32 s1, $0xD;
	s1 =	sshrl.u32 s1, $0x2  }
0xbb: {  	s3 =	sand.u32 $0x4000, s31;
	s1 =	sadd.s32 s1, s30  }
0xbc: {  	s0 =	sor.u32 s3, s0;
	s1 =	sshll.u32 s1, $0x11  }
0xbd: {  	s0 =	sor.u32 s1, s0  }
0xbe: {  	s0 =	sadd.s32 $0x8F2B, s0  }
0xbf: {  	[sflag:s0] =	ssyncadd.remote.s32 $0x1  }
0xc0: {  	_ =	sfence.sel $0xFFFF  }
0xc1: {  	[dreg:$0x0] =	wrdreg $0xFFFFFFFF;
	(pc) =	sbr.abs _section_cstart, $3  }
0xc2: {  	[dreg:$0x1] =	wrdreg $0xFFFFFFFF  }
0xc3: {  	_ =	task.clear_ibuf [dreg:s7], $0x2FFFF;
	_ =	strace $0x9FFFFFFF  }
0xc4: {  	(tm) =	ssettm $0x7FFFFFFF  }
0xc5: {  	_ =	shalt  }
tec
execute0_lowered:
.L_overlay_start_1:
0x0: {  	(tag) =	ssettag $0x1  }
0x1: {  	s7 =	rddreg [dreg:$0x0]  }
0x2: {  	s0 =	srdreg.scid;
	s9 =	rddreg [dreg:$0x1]  }
0x3: {  	s13 =	stileid.u32;
	s1 =	rddreg [dreg:$0x2]  }
0x4: {  	s2 =	rddreg [dreg:$0x3];
	s26 =	simm.s32 $0x0;
	s17 =	simm.s32 $0x400  }
0x5: {  	s18 =	simm.s32 $0x14280;
	s19 =	simm.s32 $0x16A00;
	s20 =	simm.s32 $0x50  }
0x6: {  	s21 =	simm.s32 $0x1AA00;
	s22 =	simm.s32 $0x1;
	s23 =	simm.s32 $0x1D200  }
0x7: {  	s24 =	simm.s32 $0x1FA00;
	s25 =	simm.s32 $0x2;
	s28 =	simm.s32 $0x1A800  }
0x8: {  	s29 =	simm.s32 $0x0;
	s6 =	sand.u32 $0x1, s0;
	s8 =	smul.u32 $0x2800, s13  }
0x9: {  	s3 =	sshll.u32 s13, $0x7;
	s11 =	smul.u32 $0x280, s13;
	[smem:$0x7FF] =	sst s26  }
0xa: {  	s15 =	smul.u32 $0x50000, s13;
	s31 =	sshll.u32 s13, $0x6;
	p0 =	sne.s32 s13, $0x0  }
0xb: {  	s26 =	simm.s32 $0x3;
	s0 =	sshll.u32 s6, $0x4;
	s5 =	sand.u32 $0x380, s3  }
0xc: {  	s12 =	smul.u32 $0x2800, s6;
	_ =	strace $0x80000047;
	s6 =	ssub.s32 $0x2, s6  }
0xd: {  	s10 =	sor.u32 s13, s0;
	s8 =	sadd.s32 s8, s7;
	s16 =	sshrl.u32 s6, $0x1  }
0xe: {  	s30 =	sshrl.u32 s15, $0x2;
	s0 =	sshrl.u32 s10, $0x3;
	s11 =	sadd.s32 s11, s12  }
0xf: {  	s12 =	sshrl.u32 s12, $0x3;
	s16 =	ssub.s32 s6, s16;
	s15 =	sadd.s32 s30, s1  }
0x10: {  	s6 =	sadd.s32 $0x34000, s8;
	s10 =	sshll.u32 s10, $0xB;
	s4 =	smul.u32 $0x13C00, s0  }
0x11: {  	s11 =	sshll.u32 s11, $0x4;
	s12 =	sadd.s32 s12, s7;
	s9 =	sadd.s32 s9, s10  }
0x12: {  	s13 =	sshrl.u32 s15, $0x3;
	s15 =	sshrl.u32 @!p0 s2, $0x3;
	s11 =	sadd.s32 s11, s7  }
0x13: {  	s4 =	sor.u32 s5, s4;
	s10 =	sadd.s32 $0x5D000, s11;
	s11 =	sadd.s32 $0x5C600, s12  }
0x14: {  	s12 =	smax.u32 s16, $0x1;
	s16 =	simm.s32 $0x80;
	s5 =	sshrl.u32 s4, $0x3  }
0x15: {  	s4 =	sadd.s32 $0xC000, s7;
	s14 =	sadd.s32 s5, s7;
	s5 =	sadd.s32 $0x5C000, s7  }
0x16: {  	v0 =	vimm.f32 $1.000000000e+00;
	s7 =	sor.u32 $0x1C04, s31;
	s8 =	sadd.s32 $0x2200, s14;
	s14 =	simm.s32 $0x4  }
.LBB2_1:
0x17: {  	[spmem:s13], [sflag:s7] =	dma.local [hbm:s6], $0x2800  }
0x18: {  	_ =	swait.ge [sflag:s14], $0x2800  }
0x19: {  	[sflag:s14] =	ssyncset.done $0x0  }
0x1a: {  	s30 =	simm.s32 @!p0 $0x4;
	[sflag:s14] =	ssyncadd.s32 $0xFFFFD800  }
0x1b: {  	[spmem:s15], [sflag:s7] =	dma.local @!p0 [hbm:s5], $0x500  }
0x1c: {  	_ =	swait.ge @!p0 [sflag:s30], $0x500  }
0x1d: {  	[sflag:s30] =	ssyncset.done @!p0 $0x0  }
0x1e: {  	[sflag:s30] =	ssyncadd.s32 @!p0 $0xFFFFFB00  }
0x1f: {  	[tilespmem:$0x1FA00] =	vst v0  }
0x20: {  	[tilespmem:$0x1FA10] =	vst v0  }
0x21: {  	[tilespmem:$0x1FA20] =	vst v0  }
0x22: {  	[tilespmem:$0x1FA30] =	vst v0  }
0x23: {  	[tilespmem:$0x1FA40] =	vst v0  }
0x24: {  	[tilespmem:s18], [sflag:$0x4] =	stream.strided.gather [hbm4b:s8+s16], $0x2780, s17, s16, $0x38;
	[tilespmem:$0x1FA80] =	vst v63  }
0x25: {  	_ =	swait.ge [sflag:s14], $0x2780  }
0x26: {  	[sflag:s14] =	ssyncset.done $0x0  }
0x27: {  	s0 =	simm.s32 $0x0;
	[sflag:s14] =	ssyncadd.s32 $0xFFFFD880  }
0x28: {  	[tilespmem:s19], [sflag:$0x4] =	stream.linear.gather [hbm4b:s9+s0], $0x3E80, $0x38;
	[tilespmem:$0x1FA80] =	vst v63  }
0x29: {  	_ =	swait.ge [sflag:s14], $0x3E80  }
0x2a: {  	[sflag:s14] =	ssyncset.done $0x0  }
0x2b: {  	[sflag:s14] =	ssyncadd.s32 $0xFFFFC180  }
0x2c: {  	[bflag:$0x0] =	sbarrier.arrive $0xFFFF  }
0x2d: {  	[tilespmem:s21], [sflag:$0x1] =	stream.indirect.gather [hbm4b:s4+s20], $0x80, s18, s20, $0xb8;
	[tilespmem:$0x1FA80] =	vst v63  }
0x2e: {  	_ =	swait.ge [sflag:s22], $0x2800  }
0x2f: {  	[sflag:s22] =	ssyncset.done $0x0  }
0x30: {  	s30 =	simm.s32 $0x142D0;
	[sflag:s22] =	ssyncadd.s32 $0xFFFFD800  }
0x31: {  	[tilespmem:s23], [sflag:$0x1] =	stream.indirect.gather [hbm4b:s4+s20], $0x80, s30, s20, $0xb8;
	[tilespmem:$0x1FA80] =	vst v63  }
0x32: {  	s31 =	simm.s32 $0x16A00  }
0x33: {  	[spmem:s1] =	stream.indirect.scatter.add.f32 [tilespmem:s21], [sflag:$0x2], $0x80, s31, s20, $0xb8;
	[tilespmem:$0x1FA80] =	vst v63  }
0x34: {  	_ = 	snop  }
0x35: {  	[spmem:s2] =	stream.indirect.scatter.add.f32 [tilespmem:s24], [sflag:$0x3], $0x1, s31, s20, $0xb8;
	[tilespmem:$0x1FA80] =	vst v63  }
0x36: {  	_ =	swait.ge [sflag:s25], $0x2800  }
0x37: {  	[sflag:s25] =	ssyncset.done $0x0  }
0x38: {  	[sflag:s25] =	ssyncadd.s32 $0xFFFFD800  }
0x39: {  	_ =	swait.ge [sflag:s26], $0x50  }
0x3a: {  	[sflag:s26] =	ssyncset.done $0x0  }
0x3b: {  	[sflag:s26] =	ssyncadd.s32 $0xFFFFFFB0  }
0x3c: {  	_ =	swait.ge [sflag:s22], $0x2800  }
0x3d: {  	[sflag:s22] =	ssyncset.done $0x0  }
0x3e: {  	s31 =	simm.s32 $0x14320;
	[sflag:s22] =	ssyncadd.s32 $0xFFFFD800  }
0x3f: {  	[tilespmem:s21], [sflag:$0x1] =	stream.indirect.gather [hbm4b:s4+s20], $0x80, s31, s20, $0xb8;
	[tilespmem:$0x1FA80] =	vst v63  }
0x40: {  	s31 =	simm.s32 $0x16A80  }
0x41: {  	[spmem:s1] =	stream.indirect.scatter.add.f32 [tilespmem:s23], [sflag:$0x2], $0x80, s31, s20, $0xb8;
	[tilespmem:$0x1FA80] =	vst v63  }
0x42: {  	_ = 	snop  }
0x43: {  	[spmem:s2] =	stream.indirect.scatter.add.f32 [tilespmem:s24], [sflag:$0x3], $0x1, s31, s20, $0xb8;
	[tilespmem:$0x1FA80] =	vst v63  }
0x44: {  	_ =	swait.ge [sflag:s25], $0x2800  }
0x45: {  	[sflag:s25] =	ssyncset.done $0x0  }
0x46: {  	[sflag:s25] =	ssyncadd.s32 $0xFFFFD800  }
0x47: {  	_ =	swait.ge [sflag:s26], $0x50  }
0x48: {  	s31 =	simm.s32 $0x400;
	[sflag:s26] =	ssyncset.done $0x0  }
.LBB2_2:
0x49: {  	p1 =	sne.s32 s31, $0xF400;
	[sflag:s26] =	ssyncadd.s32 $0xFFFFFFB0;
	s30 =	sadd.s32 $0xA0, s30  }
0x4a: {  	s0 =	smov.u32 s31;
	s31 =	sadd.s32 $0x400, s31;
	_ =	swait.ge [sflag:s22], $0x2800  }
0x4b: {  	[sflag:s22] =	ssyncset.done $0x0  }
0x4c: {  	s0 =	sshra.s32 s0, $0x2;
	[sflag:s22] =	ssyncadd.s32 $0xFFFFD800  }
0x4d: {  	[tilespmem:s23], [sflag:$0x1] =	stream.indirect.gather [hbm4b:s4+s20], $0x80, s30, s20, $0xb8;
	[tilespmem:$0x1FA80] =	vst v63  }
0x4e: {  	s3 =	sadd.s32 $0x16A00, s0  }
0x4f: {  	[spmem:s1] =	stream.indirect.scatter.add.f32 [tilespmem:s21], [sflag:$0x2], $0x80, s3, s20, $0xb8;
	[tilespmem:$0x1FA80] =	vst v63  }
0x50: {  	_ = 	snop  }
0x51: {  	[spmem:s2] =	stream.indirect.scatter.add.f32 [tilespmem:s24], [sflag:$0x3], $0x1, s3, s20, $0xb8;
	[tilespmem:$0x1FA80] =	vst v63  }
0x52: {  	_ =	swait.ge [sflag:s25], $0x2800  }
0x53: {  	[sflag:s25] =	ssyncset.done $0x0  }
0x54: {  	[sflag:s25] =	ssyncadd.s32 $0xFFFFD800  }
0x55: {  	_ =	swait.ge [sflag:s26], $0x50  }
0x56: {  	[sflag:s26] =	ssyncset.done $0x0  }
0x57: {  	[sflag:s26] =	ssyncadd.s32 $0xFFFFFFB0  }
0x58: {  	_ =	swait.ge [sflag:s22], $0x2800  }
0x59: {  	[sflag:s22] =	ssyncset.done $0x0  }
0x5a: {  	s3 =	sadd.s32 $0x50, s30;
	[sflag:s22] =	ssyncadd.s32 $0xFFFFD800  }
0x5b: {  	[tilespmem:s21], [sflag:$0x1] =	stream.indirect.gather [hbm4b:s4+s20], $0x80, s3, s20, $0xb8;
	[tilespmem:$0x1FA80] =	vst v63  }
0x5c: {  	s0 =	sadd.s32 $0x16A80, s0  }
0x5d: {  	[spmem:s1] =	stream.indirect.scatter.add.f32 [tilespmem:s23], [sflag:$0x2], $0x80, s0, s20, $0xb8;
	[tilespmem:$0x1FA80] =	vst v63  }
0x5e: {  	_ = 	snop  }
0x5f: {  	[spmem:s2] =	stream.indirect.scatter.add.f32 [tilespmem:s24], [sflag:$0x3], $0x1, s0, s20, $0xb8;
	[tilespmem:$0x1FA80] =	vst v63  }
.Ltmp0:
0x60: {  	_ =	swait.ge [sflag:s25], $0x2800;
	(pc) =	sbr.rel @p1 .LBB2_2-.Ltmp0, $4  }
0x61: {  	[sflag:s25] =	ssyncset.done $0x0  }
0x62: {  	[sflag:s25] =	ssyncadd.s32 $0xFFFFD800  }
0x63: {  	_ =	swait.ge [sflag:s26], $0x50  }
0x64: {  	[sflag:s26] =	ssyncset.done $0x0  }
0x65: {  	[sflag:s26] =	ssyncadd.s32 $0xFFFFFFB0  }
0x66: {  	_ =	swait.ge [sflag:s22], $0x2800  }
0x67: {  	[sflag:s22] =	ssyncset.done $0x0  }
0x68: {  	[sflag:s22] =	ssyncadd.s32 $0xFFFFD800  }
0x69: {  	[spmem:s1] =	stream.indirect.scatter.add.f32 [tilespmem:s21], [sflag:$0x2], $0x80, s28, s20, $0xb8;
	[tilespmem:$0x1FA80] =	vst v63  }
0x6a: {  	_ = 	snop  }
0x6b: {  	[spmem:s2] =	stream.indirect.scatter.add.f32 [tilespmem:s24], [sflag:$0x3], $0x1, s28, s20, $0xb8;
	[tilespmem:$0x1FA80] =	vst v63  }
0x6c: {  	_ =	swait.ge [sflag:s25], $0x2800  }
0x6d: {  	[sflag:s25] =	ssyncset.done $0x0  }
0x6e: {  	[sflag:s25] =	ssyncadd.s32 $0xFFFFD800  }
0x6f: {  	_ =	swait.ge [sflag:s26], $0x50  }
0x70: {  	[sflag:s26] =	ssyncset.done $0x0  }
0x71: {  	[sflag:s26] =	ssyncadd.s32 $0xFFFFFFB0  }
0x72: {  	[bflag:$0x0] =	sbarrier.arrive $0xFFFF  }
0x73: {  	[hbm:s10], [sflag:s7] =	dma.local [spmem:s13], $0x2800  }
0x74: {  	s29 =	sadd.s32 $0x1, s29;
	_ =	swait.ge [sflag:s14], $0x2800  }
0x75: {  	p1 =	sne.s32 s29, s12;
	[sflag:s14] =	ssyncset.done $0x0  }
.Ltmp1:
0x76: {  	s0 =	simm.s32 @!p0 $0x4;
	[sflag:s14] =	ssyncadd.s32 $0xFFFFD800;
	(pc) =	sbr.rel @p1 .LBB2_1-.Ltmp1, $4  }
0x77: {  	[hbm:s11], [sflag:s7] =	dma.local @!p0 [spmem:s15], $0x500  }
0x78: {  	_ =	swait.ge @!p0 [sflag:s0], $0x500  }
0x79: {  	[sflag:s0] =	ssyncset.done @!p0 $0x0  }
0x7a: {  	[sflag:s0] =	ssyncadd.s32 @!p0 $0xFFFFFB00  }
0x7b: {  	_ =	sfence.sel $0x180000  }
0x7c: {  	[bflag:$0x0] =	sbarrier.arrive $0xFFFF  }
0x7d: {  	_ =	strace $0x90000047  }
0x7e: {  	[bflag:$0x2] =	sbarrier.arrive $0xFFFF  }
0x7f: {  	s0 =	rddreg [dreg:$0x4]  }
0x80: {  	s0 =	sadd.s32 @!p0 $0x100000, s0  }
0x81: {  	[sflag:s0] =	ssyncadd.tile.s32 @!p0 $0x1;
	_ =	shalt  }
.Lfunc_end2:
_tile_overlayer_lowered:
.L_overlay_start_2:
0x82: {  	(tag) =	ssettag $0x2  }
0x83: {  	s0 =	rddreg [dreg:$0x0];
	s2 =	stileid.u32  }
0x84: {  	s1 =	rddreg [dreg:$0x1];
	p0 =	sne.s32 s2, $0x0  }
0x85: {  	s3 =	rddreg [dreg:$0x2];
	[bflag:$0x3] =	sbarrier.arrive $0xFFFF;
	s2 =	simm.s32 @!p0 $0x1C04  }
0x86: {  	[timem:s3], [sflag:s2] =	dma.local @!p0 [hbm:s0], s1  }
0x87: {  	s0 =	simm.s32 @!p0 $0x4  }
0x88: {  	_ =	swait.ge @!p0 [sflag:s0], s1  }
0x89: {  	s1 =	ssub.s32 @!p0 $0x0, s1;
	[sflag:s0] =	ssyncset.done @!p0 $0x0  }
0x8a: {  	[sflag:s0] =	ssyncadd.s32 @!p0 s1  }
0x8b: {  	[bflag:$0x3] =	sbarrier.arrive $0xFFFF  }
0x8c: {  	_ =	shalt  }

// kernel: kernel.9.cloned.1.call-start
scs
__scs_entry_jumppad:
0x0: {  	(pc) =	sbr.rel $0x88, $3  }
0x1: {  	(tag) =	ssettag $0x0;
	lr =	simm.s32 $0x1  }
0x2: {  	[smem:$0x3F99] =	sst lr;
	_ =	strace $0xD0000000  }
0x3: {  	_ = 	snop  }
0x4: {  	_ = 	snop  }
0x5: {  	_ = 	snop  }
0x6: {  	_ = 	snop  }
0x7: {  	_ = 	snop  }
__scs_overlays_trampoline_lowered:
0x8: {  	[smem:$0x3FA8] =	sst s0  }
0x9: {  	[smem:$0x3FA9] =	sst s1  }
0xa: {  	[smem:$0x3FAA] =	sst s2  }
0xb: {  	[smem:$0x3FAB] =	sst s3  }
0xc: {  	[smem:$0x3FAC] =	sst s4  }
0xd: {  	[smem:$0x3FAD] =	sst s5  }
0xe: {  	[smem:$0x3FAE] =	sst s6  }
0xf: {  	[smem:$0x3FAF] =	sst s7  }
0x10: {  	[smem:$0x3FB0] =	sst s8  }
0x11: {  	[smem:$0x3FB1] =	sst s9;
	s0 =	simm.s32 @!p0 $0x0  }
0x12: {  	s1 =	sld [smem:$0x3F97];
	s0 =	simm.s32 @p0 $0x1  }
0x13: {  	[smem:$0x3FB2] =	sst s0;
	s0 =	simm.s32 @!p1 $0x0  }
0x14: {  	s2 =	sld [smem:$0x3F96];
	s0 =	simm.s32 @p1 $0x1  }
0x15: {  	[smem:$0x3FB3] =	sst s0;
	s0 =	simm.s32 @!p2 $0x0  }
0x16: {  	s3 =	sld [smem:$0x3FDB];
	s0 =	simm.s32 @p2 $0x1  }
0x17: {  	s4 =	simm.s32 $0x1BF5;
	[smem:$0x3FB5] =	sst s0  }
0x18: {  	s0 =	sld [smem:$0x3F98];
	_ =	swait.ge [sflag:s4], $0x0  }
0x19: {  	s7 =	sld [smem:$0x3F99]  }
0x1a: {  	s8 =	sadd.s32 $0xFFFFE003, lr  }
0x1b: {  	s9 =	sadd.s32 $0xFFFFFEF7, lr;
	s5 =	simm.s32 $0xFFFFFFFF;
	p2 =	slt.u32 s8, $0xFFFFF086  }
0x1c: {  	p1 =	slt.u32 s9, $0xF7A;
	s5 =	simm.s32 @!p2 $0x0  }
0x1d: {  	s5 =	simm.s32 @p1 $0x1;
	p0 =	seq.s32 s7, s2  }
0x1e: {  	s7 =	smul.u32 @!p0 $0xF7A, s2;
	p2 =	seq.s32 @!p0 s5, $0x0  }
0x1f: {  	s9 =	smul.u32 $0xF7A, s1;
	s8 =	simm.s32 @!p0 $0x1BF5;
	p2 =	por !p2, p0  }
0x20: {  	[sflag:s8] =	ssyncset.s32 @!p0 $0xFFFFF086;
	s6 =	sadd.s32 @!p0 s3, s7;
	s7 =	simm.s32 @!p0 $0x108  }
0x21: {  	s3 =	sadd.s32 s3, s9;
	s6 =	sadd.s32 @!p0 $0x88, s6;
	s7 =	simm.s32 @p2 $0x1082  }
0x22: {  	[simem:s7], [sflag:s8] =	dma.local @!p0 [hbm:s6], $0xF7A  }
0x23: {  	s9 =	sor.u32 $0xD0000000, s2;
	s6 =	simm.s32 $0x108;
	_ =	swait.ge @!p0 [sflag:s8], $0x0  }
0x24: {  	s3 =	sadd.s32 $0x88, s3;
	s6 =	simm.s32 @!p1 $0x1082;
	[sflag:s4] =	ssyncset.s32 $0xFFFFF086  }
0x25: {  	[simem:s6], [sflag:s4] =	dma.local [hbm:s3], $0xF7A  }
0x26: {  	[smem:$0x3F99] =	sst s1;
	(tag) =	ssettag s2;
	_ =	strace s9  }
0x27: {  	s1 =	sld [smem:$0x3FA9]  }
0x28: {  	s2 =	sld [smem:$0x3FAA]  }
0x29: {  	s4 =	sld [smem:$0x3FAC]  }
0x2a: {  	p0 =	seq.s32 s5, $0x0;
	s5 =	sld [smem:$0x3FAD]  }
0x2b: {  	s6 =	sld [smem:$0x3FAE]  }
0x2c: {  	s7 =	sld [smem:$0x3FAF]  }
0x2d: {  	s3 =	simm.s32 $0x108;
	s8 =	sld [smem:$0x3FB0]  }
0x2e: {  	s3 =	simm.s32 @!p0 $0x1082;
	s9 =	sld [smem:$0x3FB1]  }
0x2f: {  	lr =	sadd.s32 s0, s3;
	s0 =	sld [smem:$0x3FA8]  }
0x30: {  	s3 =	sld [smem:$0x3FAB]  }
0x31: {  	[smem:$0x3FB4] =	sst s10  }
0x32: {  	s10 =	sld [smem:$0x3FB2];
	_ =	sdelay $0x3  }
0x33: {  	p0 =	seq.s32 s10, $0x1;
	s10 =	sld [smem:$0x3FB4];
	_ =	sdelay $0x3  }
0x34: {  	[smem:$0x3FB4] =	sst s10  }
0x35: {  	s10 =	sld [smem:$0x3FB3];
	_ =	sdelay $0x3  }
0x36: {  	p1 =	seq.s32 s10, $0x1;
	s10 =	sld [smem:$0x3FB4];
	_ =	sdelay $0x3  }
0x37: {  	[smem:$0x3FB4] =	sst s10  }
0x38: {  	s10 =	sld [smem:$0x3FB5]  }
0x39: {  	_ = 	snop;
	(pc) =	sbr.ind lr, $3  }
0x3a: {  	_ = 	snop  }
0x3b: {  	_ = 	snop  }
0x3c: {  	p2 =	seq.s32 s10, $0x1;
	s10 =	sld [smem:$0x3FB4]  }
0x3d: {  	_ =	shalt  }
0x3e: {  	_ =	shalt  }
0x3f: {  	_ =	shalt  }
0x40: {  	_ =	shalt  }
0x41: {  	_ =	shalt  }
0x42: {  	_ =	shalt  }
0x43: {  	_ =	shalt  }
0x44: {  	_ =	shalt  }
0x45: {  	_ =	shalt  }
0x46: {  	_ =	shalt  }
0x47: {  	_ =	shalt  }
0x48: {  	_ =	shalt  }
0x49: {  	_ =	shalt  }
0x4a: {  	_ =	shalt  }
0x4b: {  	_ =	shalt  }
0x4c: {  	_ =	shalt  }
0x4d: {  	_ =	shalt  }
0x4e: {  	_ =	shalt  }
0x4f: {  	_ =	shalt  }
0x50: {  	_ =	shalt  }
0x51: {  	_ =	shalt  }
0x52: {  	_ =	shalt  }
0x53: {  	_ =	shalt  }
0x54: {  	_ =	shalt  }
0x55: {  	_ =	shalt  }
0x56: {  	_ =	shalt  }
0x57: {  	_ =	shalt  }
0x58: {  	_ =	shalt  }
0x59: {  	_ =	shalt  }
0x5a: {  	_ =	shalt  }
0x5b: {  	_ =	shalt  }
0x5c: {  	_ =	shalt  }
0x5d: {  	_ =	shalt  }
0x5e: {  	_ =	shalt  }
0x5f: {  	_ =	shalt  }
0x60: {  	_ =	shalt  }
0x61: {  	_ =	shalt  }
0x62: {  	_ =	shalt  }
0x63: {  	_ =	shalt  }
0x64: {  	_ =	shalt  }
0x65: {  	_ =	shalt  }
0x66: {  	_ =	shalt  }
0x67: {  	_ =	shalt  }
0x68: {  	_ =	shalt  }
0x69: {  	_ =	shalt  }
0x6a: {  	_ =	shalt  }
0x6b: {  	_ =	shalt  }
0x6c: {  	_ =	shalt  }
0x6d: {  	_ =	shalt  }
0x6e: {  	_ =	shalt  }
0x6f: {  	_ =	shalt  }
0x70: {  	_ =	shalt  }
0x71: {  	_ =	shalt  }
0x72: {  	_ =	shalt  }
0x73: {  	_ =	shalt  }
0x74: {  	_ =	shalt  }
0x75: {  	_ =	shalt  }
0x76: {  	_ =	shalt  }
0x77: {  	_ =	shalt  }
0x78: {  	_ =	shalt  }
0x79: {  	_ =	shalt  }
0x7a: {  	_ =	shalt  }
0x7b: {  	_ =	shalt  }
0x7c: {  	_ =	shalt  }
0x7d: {  	_ =	shalt  }
0x7e: {  	_ =	shalt  }
0x7f: {  	_ =	shalt  }
0x80: {  	_ =	shalt  }
0x81: {  	_ =	shalt  }
0x82: {  	_ =	shalt  }
0x83: {  	_ =	shalt  }
0x84: {  	_ =	shalt  }
0x85: {  	_ =	shalt  }
0x86: {  	_ =	shalt  }
0x87: {  	_ =	shalt  }
.Lfunc_end0:
.L_simem_size_0:
called_computation.1_lowered:
.L_overlay_start_0:
0x88: {  	s2 =	sld [smem:$0x3FD9]  }
0x89: {  	s3 =	sld [smem:$0x3FFE];
	_ =	sdelay $0x1  }
0x8a: {  	s1 =	srdreg.scid  }
0x8b: {  	s0 =	sand.u32 $0x1, s1  }
0x8c: {  	s17 =	sshll.u32 s0, $0xA;
	s2 =	sadd.s32 s3, s2  }
0x8d: {  	s2 =	sadd.s32 s2, s17  }
0x8e: {  	[smem:$0x3FC0] =	sst s2  }
0x8f: {  	_ = 	snop  }
0x90: {  	s2 =	sld [smem:$0x3FD0];
	(tm) =	ssettm $0x1  }
0x91: {  	s18 =	sld [smem:$0x3FFB];
	_ =	sdelay $0x3  }
0x92: {  	_ =	strace s18  }
0x93: {  	s3 =	sld [smem:$0x3FFC];
	_ =	sdelay $0x3  }
0x94: {  	_ =	strace s3  }
0x95: {  	s3 =	sld [smem:$0x3FFD];
	_ =	sdelay $0x3  }
0x96: {  	_ =	strace s3  }
0x97: {  	_ =	strace $0x8FFFFFFF  }
0x98: {  	s19 =	sld [smem:$0x3FDB];
	_ =	sdelay $0x1  }
0x99: {  	s4 =	simm.s32 $_scs_section_size  }
0x9a: {  	s5 =	simm.s32 $_size__tile_overlayer_lowered;
	s6 =	simm.s32 $_tile_overlayer_lowered  }
0x9b: {  	s22 =	simm.s32 $0x1BFF;
	s21 =	sshll.u32 s6, $0x1;
	s3 =	sadd.s32 s4, s19  }
0x9c: {  	s7 =	simm.s32 $0x0;
	s20 =	sshll.u32 s5, $0x1;
	s5 =	sadd.s32 s21, s3  }
0x9d: {  	[timem:s7], [sflag:s22] =	dma.local [hbm:s5], s20  }
0x9e: {  	_ =	swait.ge [sflag:s22], s20  }
0x9f: {  	s4 =	ssub.s32 $0x0, s20;
	[sflag:s22] =	ssyncset.done $0x0  }
0xa0: {  	[sflag:s22] =	ssyncadd.s32 s4;
	_ =	sdelay $0x1  }
0xa1: {  	s23 =	simm.s32 $0x1B8B  }
0xa2: {  	_ =	swait.ge [sflag:s23], $0x1  }
0xa3: {  	[sflag:s23] =	ssyncset.done $0x0  }
0xa4: {  	s25 =	simm.s32 $0x1B8E;
	s24 =	sld [smem:$0x3FFE];
	[sflag:s23] =	ssyncadd.s32 $0xFFFFFFFF  }
0xa5: {  	s26 =	simm.s32 $execute0_lowered;
	[smem:$0x3FD2] =	sst s25  }
0xa6: {  	s5 =	sshll.u32 s26, $0x1;
	_ =	strace $0x80000049;
	[dreg:$0x1] =	wrdreg $0xFFFFFFFF  }
0xa7: {  	s28 =	simm.s32 $_size_execute0_lowered;
	s3 =	sadd.s32 s3, s5;
	[dreg:$0x0] =	wrdreg $0x0  }
0xa8: {  	s5 =	sshll.u32 s28, $0x1;
	[dreg:$0x2] =	wrdreg s3  }
0xa9: {  	[dreg:$0x3] =	wrdreg s5  }
0xaa: {  	[dreg:$0x4] =	wrdreg $0xC0  }
0xab: {  	_ =	task [dreg:s7], $0x5FFFF  }
0xac: {  	[dreg:$0x1] =	wrdreg $0xFFFFFFFF  }
0xad: {  	[dreg:$0x0] =	wrdreg $0x60  }
0xae: {  	[dreg:$0x2] =	wrdreg s24  }
0xaf: {  	[dreg:$0x3] =	wrdreg s2  }
0xb0: {  	[dreg:$0x4] =	wrdreg $0x0  }
0xb1: {  	[dreg:$0x5] =	wrdreg $0x9  }
0xb2: {  	_ =	task.clear_ibuf [dreg:s7], $0x6FFFF;
	_ =	strace $0x90000049  }
0xb3: {  	s29 =	simm.s32 $0x9;
	_ =	strace $0x8000004B  }
0xb4: {  	_ =	swait.ge [sflag:s29], $0x1  }
0xb5: {  	[sflag:s29] =	ssyncadd.s32 $0xFFFFFFFF  }
0xb6: {  	_ =	strace $0x9000004B  }
0xb7: {  	_ =	sfence  }
0xb8: {  	s30 =	sld [smem:$0x0];
	_ =	sdelay $0x2  }
0xb9: {  	s31 =	sshll.u32 s1, $0xD;
	s1 =	sshrl.u32 s1, $0x2  }
0xba: {  	s3 =	sand.u32 $0x4000, s31;
	s1 =	sadd.s32 s1, s30  }
0xbb: {  	s0 =	sor.u32 s3, s0;
	s1 =	sshll.u32 s1, $0x11  }
0xbc: {  	s0 =	sor.u32 s1, s0  }
0xbd: {  	s0 =	sadd.s32 $0x8F2B, s0  }
0xbe: {  	[sflag:s0] =	ssyncadd.remote.s32 $0x1  }
0xbf: {  	_ =	sfence.sel $0xFFFF  }
0xc0: {  	[dreg:$0x0] =	wrdreg $0xFFFFFFFF;
	(pc) =	sbr.abs _section_cstart, $3  }
0xc1: {  	[dreg:$0x1] =	wrdreg $0xFFFFFFFF  }
0xc2: {  	_ =	task.clear_ibuf [dreg:s7], $0x2FFFF;
	_ =	strace $0x9FFFFFFF  }
0xc3: {  	(tm) =	ssettm $0x7FFFFFFF  }
tec
execute0_lowered:
.L_overlay_start_1:
0x0: {  	(tag) =	ssettag $0x1  }
0x1: {  	s5 =	rddreg [dreg:$0x0]  }
0x2: {  	s8 =	rddreg [dreg:$0x1]  }
0x3: {  	s0 =	srdreg.scid;
	s2 =	rddreg [dreg:$0x2]  }
0x4: {  	s3 =	simm.s32 $0x0;
	s14 =	simm.s32 $0x400;
	s15 =	simm.s32 $0x14000  }
0x5: {  	s16 =	simm.s32 $0x16780;
	s17 =	simm.s32 $0x50;
	s18 =	simm.s32 $0x1A780  }
0x6: {  	s19 =	simm.s32 $0x1;
	s20 =	simm.s32 $0x1CF80;
	s21 =	simm.s32 $0x2  }
0x7: {  	s22 =	simm.s32 $0x1A580;
	s6 =	sand.u32 $0x1, s0;
	s0 =	stileid.u32  }
0x8: {  	s23 =	simm.s32 $0x0;
	[smem:$0x7FF] =	sst s3;
	s10 =	smul.u32 $0x2800, s0  }
0x9: {  	s1 =	sshll.u32 s6, $0x4;
	s9 =	sshll.u32 s0, $0x7;
	s11 =	smul.u32 $0x28000, s6  }
0xa: {  	s12 =	smul.u32 $0x50000, s0;
	s6 =	ssub.s32 $0x2, s6;
	s30 =	sshll.u32 s0, $0x6  }
0xb: {  	s7 =	sor.u32 s0, s1;
	s1 =	rddreg [dreg:$0x3];
	s9 =	sand.u32 $0x380, s9  }
0xc: {  	_ =	strace $0x8000004A;
	s29 =	sshrl.u32 s6, $0x1;
	s4 =	sshrl.u32 s7, $0x3  }
0xd: {  	s13 =	sadd.s32 s10, s5;
	s10 =	sadd.s32 s10, s11;
	s4 =	smul.u32 $0x13C00, s4  }
0xe: {  	s12 =	sshrl.u32 s12, $0x2;
	s11 =	ssub.s32 s6, s29;
	s31 =	sshll.u32 s7, $0xB  }
0xf: {  	s6 =	sor.u32 $0x1C03, s30;
	s10 =	sadd.s32 s10, s5;
	s9 =	sor.u32 s9, s4  }
0x10: {  	s12 =	sadd.s32 s12, s2;
	s8 =	sadd.s32 s8, s31;
	s9 =	sshrl.u32 s9, $0x3  }
0x11: {  	s4 =	sadd.s32 $0xC000, s5;
	s9 =	sadd.s32 s9, s5;
	s5 =	sadd.s32 $0x34000, s13  }
0x12: {  	s13 =	simm.s32 $0x80;
	s7 =	sadd.s32 $0x2200, s9;
	s9 =	sadd.s32 $0x5C000, s10  }
0x13: {  	s10 =	smax.u32 s11, $0x1;
	s11 =	sshrl.u32 s12, $0x3;
	s12 =	simm.s32 $0x3  }
.LBB2_1:
0x14: {  	[spmem:s11], [sflag:s6] =	dma.local [hbm:s5], $0x2800  }
0x15: {  	_ =	swait.ge [sflag:s12], $0x2800  }
0x16: {  	[sflag:s12] =	ssyncset.done $0x0  }
0x17: {  	[sflag:s12] =	ssyncadd.s32 $0xFFFFD800  }
0x18: {  	[tilespmem:s15], [sflag:$0x3] =	stream.strided.gather [hbm4b:s7+s13], $0x2780, s14, s13, $0x38;
	[tilespmem:$0x1F780] =	vst v63  }
0x19: {  	_ =	swait.ge [sflag:s12], $0x2780  }
0x1a: {  	[sflag:s12] =	ssyncset.done $0x0  }
0x1b: {  	[sflag:s12] =	ssyncadd.s32 $0xFFFFD880  }
0x1c: {  	[tilespmem:s16], [sflag:$0x3] =	stream.linear.gather [hbm4b:s8+s3], $0x3E80, $0x38;
	[tilespmem:$0x1F780] =	vst v63  }
0x1d: {  	_ =	swait.ge [sflag:s12], $0x3E80  }
0x1e: {  	[sflag:s12] =	ssyncset.done $0x0  }
0x1f: {  	[sflag:s12] =	ssyncadd.s32 $0xFFFFC180  }
0x20: {  	[bflag:$0x0] =	sbarrier.arrive $0xFFFF  }
0x21: {  	[tilespmem:s18], [sflag:$0x1] =	stream.indirect.gather [hbm4b:s4+s17], $0x80, s15, s17, $0xb8;
	[tilespmem:$0x1F780] =	vst v63  }
0x22: {  	_ =	swait.ge [sflag:s19], $0x2800  }
0x23: {  	[sflag:s19] =	ssyncset.done $0x0  }
0x24: {  	s24 =	simm.s32 $0x14050;
	[sflag:s19] =	ssyncadd.s32 $0xFFFFD800  }
0x25: {  	[tilespmem:s20], [sflag:$0x1] =	stream.indirect.gather [hbm4b:s4+s17], $0x80, s24, s17, $0xb8;
	[tilespmem:$0x1F780] =	vst v63  }
0x26: {  	s25 =	simm.s32 $0x16780  }
0x27: {  	[spmem:s2] =	stream.indirect.scatter.add.f32 [tilespmem:s18], [sflag:$0x2], $0x80, s25, s17, $0xb8;
	[tilespmem:$0x1F780] =	vst v63  }
0x28: {  	_ =	swait.ge [sflag:s21], $0x2800  }
0x29: {  	[sflag:s21] =	ssyncset.done $0x0  }
0x2a: {  	[sflag:s21] =	ssyncadd.s32 $0xFFFFD800  }
0x2b: {  	_ =	swait.ge [sflag:s19], $0x2800  }
0x2c: {  	[sflag:s19] =	ssyncset.done $0x0  }
0x2d: {  	s30 =	simm.s32 $0x140A0;
	[sflag:s19] =	ssyncadd.s32 $0xFFFFD800  }
0x2e: {  	[tilespmem:s18], [sflag:$0x1] =	stream.indirect.gather [hbm4b:s4+s17], $0x80, s30, s17, $0xb8;
	[tilespmem:$0x1F780] =	vst v63  }
0x2f: {  	s31 =	simm.s32 $0x16800  }
0x30: {  	[spmem:s2] =	stream.indirect.scatter.add.f32 [tilespmem:s20], [sflag:$0x2], $0x80, s31, s17, $0xb8;
	[tilespmem:$0x1F780] =	vst v63  }
0x31: {  	_ =	swait.ge [sflag:s21], $0x2800  }
0x32: {  	s25 =	simm.s32 $0x400;
	[sflag:s21] =	ssyncset.done $0x0  }
.LBB2_2:
0x33: {  	p0 =	sne.s32 s25, $0xF400;
	[sflag:s21] =	ssyncadd.s32 $0xFFFFD800;
	s24 =	sadd.s32 $0xA0, s24  }
0x34: {  	s26 =	smov.u32 s25;
	s25 =	sadd.s32 $0x400, s25  }
0x35: {  	_ =	swait.ge [sflag:s19], $0x2800  }
0x36: {  	[sflag:s19] =	ssyncset.done $0x0  }
0x37: {  	s26 =	sshra.s32 s26, $0x2;
	[sflag:s19] =	ssyncadd.s32 $0xFFFFD800  }
0x38: {  	[tilespmem:s20], [sflag:$0x1] =	stream.indirect.gather [hbm4b:s4+s17], $0x80, s24, s17, $0xb8;
	[tilespmem:$0x1F780] =	vst v63  }
0x39: {  	s28 =	sadd.s32 $0x16780, s26  }
0x3a: {  	[spmem:s2] =	stream.indirect.scatter.add.f32 [tilespmem:s18], [sflag:$0x2], $0x80, s28, s17, $0xb8;
	[tilespmem:$0x1F780] =	vst v63  }
0x3b: {  	_ =	swait.ge [sflag:s21], $0x2800  }
0x3c: {  	[sflag:s21] =	ssyncset.done $0x0  }
0x3d: {  	[sflag:s21] =	ssyncadd.s32 $0xFFFFD800  }
0x3e: {  	_ =	swait.ge [sflag:s19], $0x2800  }
0x3f: {  	[sflag:s19] =	ssyncset.done $0x0  }
0x40: {  	s28 =	sadd.s32 $0x50, s24;
	[sflag:s19] =	ssyncadd.s32 $0xFFFFD800  }
0x41: {  	[tilespmem:s18], [sflag:$0x1] =	stream.indirect.gather [hbm4b:s4+s17], $0x80, s28, s17, $0xb8;
	[tilespmem:$0x1F780] =	vst v63  }
.Ltmp0:
0x42: {  	_ = 	snop;
	(pc) =	sbr.rel @p0 .LBB2_2-.Ltmp0, $4  }
0x43: {  	s26 =	sadd.s32 $0x16800, s26  }
0x44: {  	[spmem:s2] =	stream.indirect.scatter.add.f32 [tilespmem:s20], [sflag:$0x2], $0x80, s26, s17, $0xb8;
	[tilespmem:$0x1F780] =	vst v63  }
0x45: {  	_ =	swait.ge [sflag:s21], $0x2800  }
0x46: {  	[sflag:s21] =	ssyncset.done $0x0  }
0x47: {  	[sflag:s21] =	ssyncadd.s32 $0xFFFFD800  }
0x48: {  	_ =	swait.ge [sflag:s19], $0x2800  }
0x49: {  	[sflag:s19] =	ssyncset.done $0x0  }
0x4a: {  	[sflag:s19] =	ssyncadd.s32 $0xFFFFD800  }
0x4b: {  	[spmem:s2] =	stream.indirect.scatter.add.f32 [tilespmem:s18], [sflag:$0x2], $0x80, s22, s17, $0xb8;
	[tilespmem:$0x1F780] =	vst v63  }
0x4c: {  	_ =	swait.ge [sflag:s21], $0x2800  }
0x4d: {  	s23 =	sadd.s32 $0x1, s23;
	[sflag:s21] =	ssyncset.done $0x0  }
0x4e: {  	p0 =	sne.s32 s23, s10;
	[sflag:s21] =	ssyncadd.s32 $0xFFFFD800  }
.Ltmp1:
0x4f: {  	[bflag:$0x0] =	sbarrier.arrive $0xFFFF;
	(pc) =	sbr.rel @p0 .LBB2_1-.Ltmp1, $4  }
0x50: {  	[hbm:s9], [sflag:s6] =	dma.local [spmem:s11], $0x2800  }
0x51: {  	_ =	swait.ge [sflag:s12], $0x2800  }
0x52: {  	[sflag:s12] =	ssyncset.done $0x0  }
0x53: {  	[sflag:s12] =	ssyncadd.s32 $0xFFFFD800  }
0x54: {  	_ =	sfence.sel $0x180000  }
0x55: {  	[bflag:$0x0] =	sbarrier.arrive $0xFFFF  }
0x56: {  	p0 =	sne.s32 s0, $0x0;
	_ =	strace $0x9000004A  }
0x57: {  	s0 =	sadd.s32 @!p0 $0x100000, s1;
	[bflag:$0x2] =	sbarrier.arrive $0xFFFF  }
0x58: {  	[sflag:s0] =	ssyncadd.tile.s32 @!p0 $0x1;
	_ =	shalt  }
.Lfunc_end2:
_tile_overlayer_lowered:
.L_overlay_start_2:
0x59: {  	(tag) =	ssettag $0x2  }
0x5a: {  	s0 =	rddreg [dreg:$0x0];
	s2 =	stileid.u32  }
0x5b: {  	s1 =	rddreg [dreg:$0x1];
	p0 =	sne.s32 s2, $0x0  }
0x5c: {  	s3 =	rddreg [dreg:$0x2];
	[bflag:$0x3] =	sbarrier.arrive $0xFFFF;
	s2 =	simm.s32 @!p0 $0x1C03  }
0x5d: {  	[timem:s3], [sflag:s2] =	dma.local @!p0 [hbm:s0], s1  }
0x5e: {  	s0 =	simm.s32 @!p0 $0x3  }
0x5f: {  	_ =	swait.ge @!p0 [sflag:s0], s1  }
0x60: {  	s1 =	ssub.s32 @!p0 $0x0, s1;
	[sflag:s0] =	ssyncset.done @!p0 $0x0  }
0x61: {  	[sflag:s0] =	ssyncadd.s32 @!p0 s1  }
0x62: {  	[bflag:$0x3] =	sbarrier.arrive $0xFFFF  }
0x63: {  	_ =	shalt  }

</sc_bundles>
